<compile_context>
chip_gen: v7x
topology: tpu7x:2x2x1
jax: 0.10.2.dev20260603
libtpu: 0.0.44.dev20260713+nightly
codegen_flags: <defaults>
</compile_context>

<pallas_src>
import functools

import jax
import jax.numpy as jnp
from jax.experimental import pallas as pl
from jax.experimental.pallas import tpu as pltpu
from jax.experimental.pallas import tpu_sc as plsc

NPOINT = 512
RADIUS = 0.4
NSAMPLE = 32
B = 4
N = 8192
RBLK = 128
TD = 16
TROW = 128
TOT = NSAMPLE * B * NPOINT
TCHUNK = 4096
GCH = 512


def _fps_kernel(far0_ref, xyz_ref, newx_ref):
    x = xyz_ref[:, 0, :]
    y = xyz_ref[:, 1, :]
    z = xyz_ref[:, 2, :]
    far = far0_ref[...]
    iota_n = jax.lax.broadcasted_iota(jnp.int32, (B, N), 1)
    iota_p = jax.lax.broadcasted_iota(jnp.int32, (B, NPOINT), 1)

    dist0 = jnp.full((B, N), 1e10, jnp.float32)
    cxs0 = jnp.zeros((B, NPOINT), jnp.float32)
    cys0 = jnp.zeros((B, NPOINT), jnp.float32)
    czs0 = jnp.zeros((B, NPOINT), jnp.float32)

    def body(i, st):
        dist, far, cxs, cys, czs = st
        sel = iota_p == i
        oh = (iota_n == far).astype(jnp.float32)
        cx = jnp.sum(x * oh, axis=1, keepdims=True)
        cy = jnp.sum(y * oh, axis=1, keepdims=True)
        cz = jnp.sum(z * oh, axis=1, keepdims=True)
        cxs = jnp.where(sel, cx, cxs)
        cys = jnp.where(sel, cy, cys)
        czs = jnp.where(sel, cz, czs)
        d = (x - cx) ** 2 + (y - cy) ** 2 + (z - cz) ** 2
        dist = jnp.minimum(dist, d)
        m = jnp.max(dist, axis=1, keepdims=True)
        cand = jnp.where(dist == m, iota_n, N)
        far = jnp.min(cand, axis=1, keepdims=True)
        return (dist, far, cxs, cys, czs)

    _, _, cxs, cys, czs = jax.lax.fori_loop(
        0, NPOINT, body, (dist0, far, cxs0, cys0, czs0))
    newx_ref[:, 0, :] = cxs
    newx_ref[:, 1, :] = cys
    newx_ref[:, 2, :] = czs


def _ballq_idx_kernel(xyzt_ref, newx_ref, outi_ref):
    X = xyzt_ref[0]
    CT = newx_ref[0]
    xn = jnp.sum(X * X, axis=1, keepdims=True)
    cn = jnp.sum(CT * CT, axis=0, keepdims=True)
    D = (-2.0 * jnp.dot(X, CT, preferred_element_type=jnp.float32)
         + cn) + xn
    mask = jnp.logical_not(D > RADIUS * RADIUS)
    maskf = mask.astype(jnp.float32)

    pos = maskf
    sh = 1
    while sh < N:
        pos = pos + jnp.concatenate(
            [jnp.zeros((sh, RBLK), jnp.float32), pos[: N - sh, :]], axis=0)
        sh *= 2
    cnt = pos[N - 1 :, :]
    V = jnp.where(mask, pos, 0.0)

    iota_row = jax.lax.broadcasted_iota(
        jnp.int32, (1, N), 1).astype(jnp.float32)
    boff = (pl.program_id(0) * N).astype(jnp.float32)

    g0 = None
    for s in range(NSAMPLE):
        ind = jnp.where(V == float(s + 1), 1.0, 0.0)
        g = jnp.dot(iota_row, ind,
                    preferred_element_type=jnp.float32)
        if s == 0:
            g0 = g
        else:
            g = jnp.where(cnt > float(s), g, g0)
        outi_ref[s : s + 1, :] = (g + boff).astype(jnp.int32)


def _transpose_kernel(x_ref, out_ref):
    out_ref[...] = jnp.transpose(x_ref[:, 0:TD], (1, 0))


def _mlp_kernel(x_ref, x2_ref, cmat_ref, w0_ref, b0_ref, g0_ref, be0_ref,
                w1_ref, b1_ref, g1_ref, be1_ref,
                w2_ref, b2_ref, g2_ref, be2_ref, out_ref):
    xa = jnp.concatenate([x_ref[0:6, :], x2_ref[0:6, :]], axis=1)
    csub = jnp.concatenate([cmat_ref[...]] * NSAMPLE, axis=1)
    h = jnp.concatenate(
        [xa[0:3, :] - csub, xa[3:6, :]], axis=0)
    for wr, br, gr, ber in ((w0_ref, b0_ref, g0_ref, be0_ref),
                            (w1_ref, b1_ref, g1_ref, be1_ref),
                            (w2_ref, b2_ref, g2_ref, be2_ref)):
        h = jnp.dot(wr[...], h, preferred_element_type=jnp.float32) + br[...]
        mean = jnp.mean(h, axis=1, keepdims=True)
        var = jnp.mean((h - mean) ** 2, axis=1, keepdims=True)
        h = (h - mean) / jnp.sqrt(var + 1e-5)
        h = gr[...] * h + ber[...]
        h = jnp.maximum(h, 0.0)
    m2 = B * NPOINT
    acc = h[:, 0:m2]
    for s in range(1, NSAMPLE):
        acc = jnp.maximum(acc, h[:, s * m2 : (s + 1) * m2])
    for b in range(B):
        out_ref[b, :, :] = acc[:, b * NPOINT : (b + 1) * NPOINT]


def kernel(xyz, points, W0, b0, gamma0, beta0, W1, b1, gamma1, beta1,
           W2, b2, gamma2, beta2):
    far0 = jax.random.randint(
        jax.random.key(42), (B,), 0, N, dtype=jnp.int32).reshape(B, 1)

    new_xyz = pl.pallas_call(
        _fps_kernel,
        out_shape=jax.ShapeDtypeStruct((B, 3, NPOINT), jnp.float32),
    )(far0, xyz)

    xyz_t = jnp.transpose(xyz, (0, 2, 1))
    points_t = jnp.transpose(points, (0, 2, 1))
    nblk = NPOINT // RBLK
    idx2d = pl.pallas_call(
        _ballq_idx_kernel,
        grid=(B, nblk),
        in_specs=[
            pl.BlockSpec((1, N, 3), lambda b, r: (b, 0, 0)),
            pl.BlockSpec((1, 3, RBLK), lambda b, r: (b, 0, r)),
        ],
        out_specs=pl.BlockSpec((NSAMPLE, RBLK),
                               lambda b, r: (0, b * (NPOINT // RBLK) + r)),
        out_shape=jax.ShapeDtypeStruct((NSAMPLE, B * NPOINT), jnp.int32),
    )(xyz_t, new_xyz)
    flat_idx = idx2d.reshape(TOT)

    table = jnp.concatenate(
        [xyz_t, points_t, jnp.zeros((B, N, TROW - 6), jnp.float32)],
        axis=2).reshape(B * N, TROW)

    info = plsc.get_sparse_core_info()
    nw = info.num_cores * info.num_subcores
    half = TOT // 2
    bpw = half // nw
    nch = bpw // GCH
    mesh = plsc.VectorSubcoreMesh(core_axis_name="c", subcore_axis_name="s")

    @functools.partial(
        pl.kernel, mesh=mesh,
        out_type=jax.ShapeDtypeStruct((half, TROW), jnp.float32),
        scratch_types=[
            pltpu.VMEM((GCH,), jnp.int32),
            pltpu.VMEM((GCH, TROW), jnp.float32),
            pltpu.SemaphoreType.DMA,
        ],
    )
    def _sc_gather(table_hbm, idx_hbm, out_hbm, idx_v, rows_v, sem):
        wid = jax.lax.axis_index("s") * info.num_cores + jax.lax.axis_index("c")
        base = wid * bpw
        for c in range(nch):
            off = base + c * GCH
            pltpu.sync_copy(idx_hbm.at[pl.ds(off, GCH)], idx_v)
            pltpu.async_copy(table_hbm.at[idx_v], rows_v, sem).wait()
            pltpu.sync_copy(rows_v, out_hbm.at[pl.ds(off, GCH)])

    def _transpose_half(g):
        return pl.pallas_call(
            _transpose_kernel,
            grid=(half // TCHUNK,),
            in_specs=[pl.BlockSpec((TCHUNK, TROW), lambda i: (i, 0))],
            out_specs=pl.BlockSpec((TD, TCHUNK), lambda i: (0, i)),
            out_shape=jax.ShapeDtypeStruct((TD, half), jnp.float32),
        )(g)

    gathered1 = _sc_gather(table, flat_idx[:half])
    gathered2 = _sc_gather(table, flat_idx[half:])
    x_in1 = _transpose_half(gathered1)
    x_in2 = _transpose_half(gathered2)

    cmat = jnp.transpose(new_xyz, (1, 0, 2)).reshape(3, B * NPOINT)

    new_points = pl.pallas_call(
        _mlp_kernel,
        out_shape=jax.ShapeDtypeStruct((B, 64, NPOINT), jnp.float32),
    )(x_in1, x_in2, cmat,
      W0, b0.reshape(-1, 1), gamma0.reshape(-1, 1), beta0.reshape(-1, 1),
      W1, b1.reshape(-1, 1), gamma1.reshape(-1, 1), beta1.reshape(-1, 1),
      W2, b2.reshape(-1, 1), gamma2.reshape(-1, 1), beta2.reshape(-1, 1))

    return (new_xyz, new_points)

# --- scband reference (transcript-rebuilt; emitter-appended) ---
"""Pipeline reference for scband-point-net-set-abstraction-91328184582663 (READ-ONLY COPY).

The authoritative reference and input builder live on the scoring server;
editing this copy changes nothing except your own understanding.
"""

import jax, jax.numpy as jnp
import numpy as np

NPOINT = 512
RADIUS = 0.4
NSAMPLE = 32
IN_CHANNEL = 6
MLP = [32, 32, 64]
B, N = 4, 8192


def setup_inputs(seed: int = 0):
    key = jax.random.key(seed)
    ks = jax.random.split(key, 16)
    inp = {}
    inp["xyz"] = jax.random.normal(ks[0], (B, 3, N), dtype=jnp.float32)
    inp["points"] = jax.random.normal(ks[1], (B, 3, N), dtype=jnp.float32)
    last = IN_CHANNEL
    for i, oc in enumerate(MLP):
        inp[f"W{i}"] = jax.random.normal(ks[2 + 2 * i], (oc, last), dtype=jnp.float32) * (1.0 / np.sqrt(last))
        inp[f"b{i}"] = jnp.zeros((oc,), dtype=jnp.float32)
        inp[f"gamma{i}"] = jnp.ones((oc,), dtype=jnp.float32)
        inp[f"beta{i}"] = jnp.zeros((oc,), dtype=jnp.float32)
        last = oc
    return inp


def square_distance(src, dst):
    dist = -2.0 * jnp.matmul(src, jnp.transpose(dst, (0, 2, 1)))
    dist = dist + jnp.sum(src ** 2, -1)[:, :, None]
    dist = dist + jnp.sum(dst ** 2, -1)[:, None, :]
    return dist


def farthest_point_sample(xyz, npoint):
    b, n, c = xyz.shape
    farthest = jax.random.randint(jax.random.key(42), (b,), 0, n, dtype=jnp.int32)
    distance = jnp.full((b, n), 1e10, dtype=xyz.dtype)
    centroids = jnp.zeros((b, npoint), dtype=jnp.int32)
    batch_idx = jnp.arange(b)

    def body(i, st):
        cent, dist_acc, far = st
        cent = cent.at[:, i].set(far.astype(jnp.int32))
        centroid = xyz[batch_idx, far, :].reshape(b, 1, c)
        d = jnp.sum((xyz - centroid) ** 2, -1)
        dist_acc = jnp.minimum(dist_acc, d)
        far = jnp.argmax(dist_acc, -1).astype(jnp.int32)
        return (cent, dist_acc, far)

    centroids, _, _ = jax.lax.fori_loop(0, npoint, body, (centroids, distance, farthest))
    return centroids


def query_ball_point(radius, nsample, xyz, new_xyz):
    b, n, c = xyz.shape
    sqrdists = square_distance(new_xyz, xyz)
    arange = jnp.arange(n, dtype=jnp.int32).reshape(1, 1, n)
    group_idx = jnp.where(sqrdists > radius ** 2, n, arange)
    group_idx = jnp.sort(group_idx, axis=-1)[:, :, :nsample]
    group_first = group_idx[:, :, 0:1]
    group_idx = jnp.where(group_idx == n, group_first, group_idx)
    return group_idx


def sample_and_group(npoint, radius, nsample, xyz, points):
    b, n, c = xyz.shape
    fps_idx = jax.lax.stop_gradient(farthest_point_sample(xyz, npoint))
    new_xyz = jnp.take_along_axis(xyz, fps_idx[:, :, None], axis=1)
    idx = jax.lax.stop_gradient(query_ball_point(radius, nsample, xyz, new_xyz))
    grouped_xyz = jnp.take_along_axis(xyz, idx.reshape(b, -1, 1), axis=1).reshape(b, npoint, nsample, c)
    grouped_xyz_norm = grouped_xyz - new_xyz.reshape(b, npoint, 1, c)
    grouped_points = jnp.take_along_axis(points, idx.reshape(b, -1, 1), axis=1).reshape(b, npoint, nsample, -1)
    new_points = jnp.concatenate([grouped_xyz_norm, grouped_points], axis=-1)
    return new_xyz, new_points


def _forward(xyz, points, params):
    xyz_t = jnp.transpose(xyz, (0, 2, 1))
    points_t = jnp.transpose(points, (0, 2, 1))
    new_xyz, new_points = sample_and_group(NPOINT, RADIUS, NSAMPLE, xyz_t, points_t)
    x = jnp.transpose(new_points, (0, 3, 2, 1))
    for (W, bb, g, be) in params:
        x = jnp.einsum('oc,bcns->bons', W, x) + bb[None, :, None, None]
        mean = jnp.mean(x, axis=(0, 2, 3), keepdims=True)
        var = jnp.mean((x - mean) ** 2, axis=(0, 2, 3), keepdims=True)
        x = (x - mean) / jnp.sqrt(var + 1e-5)
        x = g[None, :, None, None] * x + be[None, :, None, None]
        x = jax.nn.relu(x)
    new_points_out = jnp.max(x, axis=2)
    return (jnp.transpose(new_xyz, (0, 2, 1)), new_points_out)


def reference(xyz, points, W0, b0, gamma0, beta0, W1, b1, gamma1, beta1, W2, b2, gamma2, beta2):
    params = [(W0, b0, gamma0, beta0), (W1, b1, gamma1, beta1), (W2, b2, gamma2, beta2)]
    return _forward(xyz, points, params)


if False:  # reference __main__ guard neutralized (emitter)
    out = reference(**setup_inputs())
    print(out[0].shape, out[1].shape)

if __name__ == "__main__":
    import jax
    _d = setup_inputs()
    print(jax.jit(kernel)(*tuple(_d.values())))

</pallas_src>

<mosaic_0001>
#map = affine_map<(d0, d1) -> (0, 0)>
#map1 = affine_map<(d0, d1) -> (0)>
module attributes {stable_mosaic.version = 14 : i64} {
  func.func @_sc_gather(%arg0: i32, %arg1: i32, %arg2: memref<32768x128xf32, #tpu.memory_space<hbm>>, %arg3: memref<32768xi32, #tpu.memory_space<hbm>>, %arg4: memref<32768x128xf32, #tpu.memory_space<hbm>>, %arg5: memref<512xi32, #tpu.memory_space<vmem>>, %arg6: memref<512x128xf32, #tpu.memory_space<vmem>>, %arg7: memref<!tpu.dma_semaphore, #tpu.memory_space<semaphore_mem>>) attributes {dimension_semantics = [#tpu.dimension_semantics<core_parallel>, #tpu.dimension_semantics<subcore_parallel>], iteration_bounds = array<i64: 2, 16>, scalar_prefetch = 0 : i64, scratch_operands = 3 : i64, tpu.core_type = #tpu.core_type<sc_vector_subcore>, window_params = [{transform_indices = #map}, {transform_indices = #map1}, {transform_indices = #map}]} {
    %mul3A = arith.constant 2 : i32
    %mul3A_0 = arith.muli %arg1, %mul3A : i32
    %add3A = arith.addi %mul3A_0, %arg0 : i32
    %mul3A_1 = arith.constant 1024 : i32
    %mul3A_2 = arith.muli %add3A, %mul3A_1 : i32
    %add3A_3 = arith.constant 0 : i32
    %add3A_4 = arith.addi %mul3A_2, %add3A_3 : i32
    "tpu.region"() ({
      %run_scoped3A = tpu.sem_alloc : memref<!tpu.dma_semaphore, #tpu.memory_space<semaphore_mem>>
      %dma_start3A_17 = tpu.memref_slice %arg3[%add3A_4] : memref<32768xi32, #tpu.memory_space<hbm>> -> memref<512xi32, #tpu.memory_space<hbm>>
      %dma_start3A_18 = tpu.memref_slice %arg3[%add3A_4] : memref<32768xi32, #tpu.memory_space<hbm>> -> memref<512xi32, #tpu.memory_space<hbm>>
      tpu.enqueue_dma source(%dma_start3A_18 : memref<512xi32, #tpu.memory_space<hbm>>) target(%arg5 : memref<512xi32, #tpu.memory_space<vmem>>) target_semaphore(%run_scoped3A : memref<!tpu.dma_semaphore, #tpu.memory_space<semaphore_mem>>)
      %dma_wait3A_19 = tpu.memref_slice %arg3[%add3A_4] : memref<32768xi32, #tpu.memory_space<hbm>> -> memref<512xi32, #tpu.memory_space<hbm>>
      %dma_wait3A_20 = tpu.memref_slice %arg3[%add3A_4] : memref<32768xi32, #tpu.memory_space<hbm>> -> memref<512xi32, #tpu.memory_space<hbm>>
      tpu.wait_dma2 semaphore(%run_scoped3A : memref<!tpu.dma_semaphore, #tpu.memory_space<semaphore_mem>>) src(%dma_wait3A_20 : memref<512xi32, #tpu.memory_space<hbm>>) dst(%arg5 : memref<512xi32, #tpu.memory_space<vmem>>)
      tpu.yield
    }) : () -> ()
    %dma_start3A = arith.constant 0 : i32
    %dma_start3A_5 = arith.constant 0 : i32
    %dma_start3A_6 = tpu.memref_slice %arg2[%dma_start3A, %dma_start3A_5] : memref<32768x128xf32, #tpu.memory_space<hbm>> -> memref<32768x128xf32, #tpu.memory_space<hbm>>
    tpu.enqueue_indirect_dma source(%dma_start3A_6 : memref<32768x128xf32, #tpu.memory_space<hbm>>) target(%arg6 : memref<512x128xf32, #tpu.memory_space<vmem>>) offsets(%arg5 : memref<512xi32, #tpu.memory_space<vmem>>) semaphore(%arg7 : memref<!tpu.dma_semaphore, #tpu.memory_space<semaphore_mem>>)
    %dma_wait3A = arith.constant 0 : i32
    %dma_wait3A_7 = arith.constant 0 : i32
    %dma_wait3A_8 = tpu.memref_slice %arg2[%dma_wait3A, %dma_wait3A_7] : memref<32768x128xf32, #tpu.memory_space<hbm>> -> memref<32768x128xf32, #tpu.memory_space<hbm>>
    tpu.wait_indirect_dma semaphore(%arg7 : memref<!tpu.dma_semaphore, #tpu.memory_space<semaphore_mem>>) src(%dma_wait3A_8 : memref<32768x128xf32, #tpu.memory_space<hbm>>) dst(%arg6 : memref<512x128xf32, #tpu.memory_space<vmem>>)
    "tpu.region"() ({
      %run_scoped3A = tpu.sem_alloc : memref<!tpu.dma_semaphore, #tpu.memory_space<semaphore_mem>>
      %dma_start3A_17 = arith.constant 0 : i32
      %dma_start3A_18 = tpu.memref_slice %arg4[%add3A_4, %dma_start3A_17] : memref<32768x128xf32, #tpu.memory_space<hbm>> -> memref<512x128xf32, #tpu.memory_space<hbm>>
      %dma_start3A_19 = arith.constant 0 : i32
      %dma_start3A_20 = tpu.memref_slice %arg4[%add3A_4, %dma_start3A_19] : memref<32768x128xf32, #tpu.memory_space<hbm>> -> memref<512x128xf32, #tpu.memory_space<hbm>>
      tpu.enqueue_dma source(%arg6 : memref<512x128xf32, #tpu.memory_space<vmem>>) target(%dma_start3A_20 : memref<512x128xf32, #tpu.memory_space<hbm>>) target_semaphore(%run_scoped3A : memref<!tpu.dma_semaphore, #tpu.memory_space<semaphore_mem>>)
      %dma_wait3A_21 = arith.constant 0 : i32
      %dma_wait3A_22 = tpu.memref_slice %arg4[%add3A_4, %dma_wait3A_21] : memref<32768x128xf32, #tpu.memory_space<hbm>> -> memref<512x128xf32, #tpu.memory_space<hbm>>
      %dma_wait3A_23 = arith.constant 0 : i32
      %dma_wait3A_24 = tpu.memref_slice %arg4[%add3A_4, %dma_wait3A_23] : memref<32768x128xf32, #tpu.memory_space<hbm>> -> memref<512x128xf32, #tpu.memory_space<hbm>>
      tpu.wait_dma2 semaphore(%run_scoped3A : memref<!tpu.dma_semaphore, #tpu.memory_space<semaphore_mem>>) src(%arg6 : memref<512x128xf32, #tpu.memory_space<vmem>>) dst(%dma_wait3A_24 : memref<512x128xf32, #tpu.memory_space<hbm>>)
      tpu.yield
    }) : () -> ()
    %add3A_9 = arith.constant 512 : i32
    %add3A_10 = arith.addi %mul3A_2, %add3A_9 : i32
    "tpu.region"() ({
      %run_scoped3A = tpu.sem_alloc : memref<!tpu.dma_semaphore, #tpu.memory_space<semaphore_mem>>
      %dma_start3A_17 = tpu.memref_slice %arg3[%add3A_10] : memref<32768xi32, #tpu.memory_space<hbm>> -> memref<512xi32, #tpu.memory_space<hbm>>
      %dma_start3A_18 = tpu.memref_slice %arg3[%add3A_10] : memref<32768xi32, #tpu.memory_space<hbm>> -> memref<512xi32, #tpu.memory_space<hbm>>
      tpu.enqueue_dma source(%dma_start3A_18 : memref<512xi32, #tpu.memory_space<hbm>>) target(%arg5 : memref<512xi32, #tpu.memory_space<vmem>>) target_semaphore(%run_scoped3A : memref<!tpu.dma_semaphore, #tpu.memory_space<semaphore_mem>>)
      %dma_wait3A_19 = tpu.memref_slice %arg3[%add3A_10] : memref<32768xi32, #tpu.memory_space<hbm>> -> memref<512xi32, #tpu.memory_space<hbm>>
      %dma_wait3A_20 = tpu.memref_slice %arg3[%add3A_10] : memref<32768xi32, #tpu.memory_space<hbm>> -> memref<512xi32, #tpu.memory_space<hbm>>
      tpu.wait_dma2 semaphore(%run_scoped3A : memref<!tpu.dma_semaphore, #tpu.memory_space<semaphore_mem>>) src(%dma_wait3A_20 : memref<512xi32, #tpu.memory_space<hbm>>) dst(%arg5 : memref<512xi32, #tpu.memory_space<vmem>>)
      tpu.yield
    }) : () -> ()
    %dma_start3A_11 = arith.constant 0 : i32
    %dma_start3A_12 = arith.constant 0 : i32
    %dma_start3A_13 = tpu.memref_slice %arg2[%dma_start3A_11, %dma_start3A_12] : memref<32768x128xf32, #tpu.memory_space<hbm>> -> memref<32768x128xf32, #tpu.memory_space<hbm>>
    tpu.enqueue_indirect_dma source(%dma_start3A_13 : memref<32768x128xf32, #tpu.memory_space<hbm>>) target(%arg6 : memref<512x128xf32, #tpu.memory_space<vmem>>) offsets(%arg5 : memref<512xi32, #tpu.memory_space<vmem>>) semaphore(%arg7 : memref<!tpu.dma_semaphore, #tpu.memory_space<semaphore_mem>>)
    %dma_wait3A_14 = arith.constant 0 : i32
    %dma_wait3A_15 = arith.constant 0 : i32
    %dma_wait3A_16 = tpu.memref_slice %arg2[%dma_wait3A_14, %dma_wait3A_15] : memref<32768x128xf32, #tpu.memory_space<hbm>> -> memref<32768x128xf32, #tpu.memory_space<hbm>>
    tpu.wait_indirect_dma semaphore(%arg7 : memref<!tpu.dma_semaphore, #tpu.memory_space<semaphore_mem>>) src(%dma_wait3A_16 : memref<32768x128xf32, #tpu.memory_space<hbm>>) dst(%arg6 : memref<512x128xf32, #tpu.memory_space<vmem>>)
    "tpu.region"() ({
      %run_scoped3A = tpu.sem_alloc : memref<!tpu.dma_semaphore, #tpu.memory_space<semaphore_mem>>
      %dma_start3A_17 = arith.constant 0 : i32
      %dma_start3A_18 = tpu.memref_slice %arg4[%add3A_10, %dma_start3A_17] : memref<32768x128xf32, #tpu.memory_space<hbm>> -> memref<512x128xf32, #tpu.memory_space<hbm>>
      %dma_start3A_19 = arith.constant 0 : i32
      %dma_start3A_20 = tpu.memref_slice %arg4[%add3A_10, %dma_start3A_19] : memref<32768x128xf32, #tpu.memory_space<hbm>> -> memref<512x128xf32, #tpu.memory_space<hbm>>
      tpu.enqueue_dma source(%arg6 : memref<512x128xf32, #tpu.memory_space<vmem>>) target(%dma_start3A_20 : memref<512x128xf32, #tpu.memory_space<hbm>>) target_semaphore(%run_scoped3A : memref<!tpu.dma_semaphore, #tpu.memory_space<semaphore_mem>>)
      %dma_wait3A_21 = arith.constant 0 : i32
      %dma_wait3A_22 = tpu.memref_slice %arg4[%add3A_10, %dma_wait3A_21] : memref<32768x128xf32, #tpu.memory_space<hbm>> -> memref<512x128xf32, #tpu.memory_space<hbm>>
      %dma_wait3A_23 = arith.constant 0 : i32
      %dma_wait3A_24 = tpu.memref_slice %arg4[%add3A_10, %dma_wait3A_23] : memref<32768x128xf32, #tpu.memory_space<hbm>> -> memref<512x128xf32, #tpu.memory_space<hbm>>
      tpu.wait_dma2 semaphore(%run_scoped3A : memref<!tpu.dma_semaphore, #tpu.memory_space<semaphore_mem>>) src(%arg6 : memref<512x128xf32, #tpu.memory_space<vmem>>) dst(%dma_wait3A_24 : memref<512x128xf32, #tpu.memory_space<hbm>>)
      tpu.yield
    }) : () -> ()
    return
  }
}

#map = affine_map<(d0, d1) -> (0, 0)>
#map1 = affine_map<(d0, d1) -> (0)>
module attributes {stable_mosaic.version = 14 : i64} {
  func.func @_sc_gather(%arg0: i32, %arg1: i32, %arg2: memref<32768x128xf32, #tpu.memory_space<hbm>>, %arg3: memref<32768xi32, #tpu.memory_space<hbm>>, %arg4: memref<32768x128xf32, #tpu.memory_space<hbm>>, %arg5: memref<512xi32, #tpu.memory_space<vmem>>, %arg6: memref<512x128xf32, #tpu.memory_space<vmem>>, %arg7: memref<!tpu.dma_semaphore, #tpu.memory_space<semaphore_mem>>) attributes {dimension_semantics = [#tpu.dimension_semantics<core_parallel>, #tpu.dimension_semantics<subcore_parallel>], iteration_bounds = array<i64: 2, 16>, scalar_prefetch = 0 : i64, scratch_operands = 3 : i64, tpu.core_type = #tpu.core_type<sc_vector_subcore>, window_params = [{transform_indices = #map}, {transform_indices = #map1}, {transform_indices = #map}]} {
    %mul3A = arith.constant 2 : i32
    %mul3A_0 = arith.muli %arg1, %mul3A : i32
    %add3A = arith.addi %mul3A_0, %arg0 : i32
    %mul3A_1 = arith.constant 1024 : i32
    %mul3A_2 = arith.muli %add3A, %mul3A_1 : i32
    %add3A_3 = arith.constant 0 : i32
    %add3A_4 = arith.addi %mul3A_2, %add3A_3 : i32
    "tpu.region"() ({
      %run_scoped3A = tpu.sem_alloc : memref<!tpu.dma_semaphore, #tpu.memory_space<semaphore_mem>>
      %dma_start3A_17 = tpu.memref_slice %arg3[%add3A_4] : memref<32768xi32, #tpu.memory_space<hbm>> -> memref<512xi32, #tpu.memory_space<hbm>>
      %dma_start3A_18 = tpu.memref_slice %arg3[%add3A_4] : memref<32768xi32, #tpu.memory_space<hbm>> -> memref<512xi32, #tpu.memory_space<hbm>>
      tpu.enqueue_dma source(%dma_start3A_18 : memref<512xi32, #tpu.memory_space<hbm>>) target(%arg5 : memref<512xi32, #tpu.memory_space<vmem>>) target_semaphore(%run_scoped3A : memref<!tpu.dma_semaphore, #tpu.memory_space<semaphore_mem>>)
      %dma_wait3A_19 = tpu.memref_slice %arg3[%add3A_4] : memref<32768xi32, #tpu.memory_space<hbm>> -> memref<512xi32, #tpu.memory_space<hbm>>
      %dma_wait3A_20 = tpu.memref_slice %arg3[%add3A_4] : memref<32768xi32, #tpu.memory_space<hbm>> -> memref<512xi32, #tpu.memory_space<hbm>>
      tpu.wait_dma2 semaphore(%run_scoped3A : memref<!tpu.dma_semaphore, #tpu.memory_space<semaphore_mem>>) src(%dma_wait3A_20 : memref<512xi32, #tpu.memory_space<hbm>>) dst(%arg5 : memref<512xi32, #tpu.memory_space<vmem>>)
      tpu.yield
    }) : () -> ()
    %dma_start3A = arith.constant 0 : i32
    %dma_start3A_5 = arith.constant 0 : i32
    %dma_start3A_6 = tpu.memref_slice %arg2[%dma_start3A, %dma_start3A_5] : memref<32768x128xf32, #tpu.memory_space<hbm>> -> memref<32768x128xf32, #tpu.memory_space<hbm>>
    tpu.enqueue_indirect_dma source(%dma_start3A_6 : memref<32768x128xf32, #tpu.memory_space<hbm>>) target(%arg6 : memref<512x128xf32, #tpu.memory_space<vmem>>) offsets(%arg5 : memref<512xi32, #tpu.memory_space<vmem>>) semaphore(%arg7 : memref<!tpu.dma_semaphore, #tpu.memory_space<semaphore_mem>>)
    %dma_wait3A = arith.constant 0 : i32
    %dma_wait3A_7 = arith.constant 0 : i32
    %dma_wait3A_8 = tpu.memref_slice %arg2[%dma_wait3A, %dma_wait3A_7] : memref<32768x128xf32, #tpu.memory_space<hbm>> -> memref<32768x128xf32, #tpu.memory_space<hbm>>
    tpu.wait_indirect_dma semaphore(%arg7 : memref<!tpu.dma_semaphore, #tpu.memory_space<semaphore_mem>>) src(%dma_wait3A_8 : memref<32768x128xf32, #tpu.memory_space<hbm>>) dst(%arg6 : memref<512x128xf32, #tpu.memory_space<vmem>>)
    "tpu.region"() ({
      %run_scoped3A = tpu.sem_alloc : memref<!tpu.dma_semaphore, #tpu.memory_space<semaphore_mem>>
      %dma_start3A_17 = arith.constant 0 : i32
      %dma_start3A_18 = tpu.memref_slice %arg4[%add3A_4, %dma_start3A_17] : memref<32768x128xf32, #tpu.memory_space<hbm>> -> memref<512x128xf32, #tpu.memory_space<hbm>>
      %dma_start3A_19 = arith.constant 0 : i32
      %dma_start3A_20 = tpu.memref_slice %arg4[%add3A_4, %dma_start3A_19] : memref<32768x128xf32, #tpu.memory_space<hbm>> -> memref<512x128xf32, #tpu.memory_space<hbm>>
      tpu.enqueue_dma source(%arg6 : memref<512x128xf32, #tpu.memory_space<vmem>>) target(%dma_start3A_20 : memref<512x128xf32, #tpu.memory_space<hbm>>) target_semaphore(%run_scoped3A : memref<!tpu.dma_semaphore, #tpu.memory_space<semaphore_mem>>)
      %dma_wait3A_21 = arith.constant 0 : i32
      %dma_wait3A_22 = tpu.memref_slice %arg4[%add3A_4, %dma_wait3A_21] : memref<32768x128xf32, #tpu.memory_space<hbm>> -> memref<512x128xf32, #tpu.memory_space<hbm>>
      %dma_wait3A_23 = arith.constant 0 : i32
      %dma_wait3A_24 = tpu.memref_slice %arg4[%add3A_4, %dma_wait3A_23] : memref<32768x128xf32, #tpu.memory_space<hbm>> -> memref<512x128xf32, #tpu.memory_space<hbm>>
      tpu.wait_dma2 semaphore(%run_scoped3A : memref<!tpu.dma_semaphore, #tpu.memory_space<semaphore_mem>>) src(%arg6 : memref<512x128xf32, #tpu.memory_space<vmem>>) dst(%dma_wait3A_24 : memref<512x128xf32, #tpu.memory_space<hbm>>)
      tpu.yield
    }) : () -> ()
    %add3A_9 = arith.constant 512 : i32
    %add3A_10 = arith.addi %mul3A_2, %add3A_9 : i32
    "tpu.region"() ({
      %run_scoped3A = tpu.sem_alloc : memref<!tpu.dma_semaphore, #tpu.memory_space<semaphore_mem>>
      %dma_start3A_17 = tpu.memref_slice %arg3[%add3A_10] : memref<32768xi32, #tpu.memory_space<hbm>> -> memref<512xi32, #tpu.memory_space<hbm>>
      %dma_start3A_18 = tpu.memref_slice %arg3[%add3A_10] : memref<32768xi32, #tpu.memory_space<hbm>> -> memref<512xi32, #tpu.memory_space<hbm>>
      tpu.enqueue_dma source(%dma_start3A_18 : memref<512xi32, #tpu.memory_space<hbm>>) target(%arg5 : memref<512xi32, #tpu.memory_space<vmem>>) target_semaphore(%run_scoped3A : memref<!tpu.dma_semaphore, #tpu.memory_space<semaphore_mem>>)
      %dma_wait3A_19 = tpu.memref_slice %arg3[%add3A_10] : memref<32768xi32, #tpu.memory_space<hbm>> -> memref<512xi32, #tpu.memory_space<hbm>>
      %dma_wait3A_20 = tpu.memref_slice %arg3[%add3A_10] : memref<32768xi32, #tpu.memory_space<hbm>> -> memref<512xi32, #tpu.memory_space<hbm>>
      tpu.wait_dma2 semaphore(%run_scoped3A : memref<!tpu.dma_semaphore, #tpu.memory_space<semaphore_mem>>) src(%dma_wait3A_20 : memref<512xi32, #tpu.memory_space<hbm>>) dst(%arg5 : memref<512xi32, #tpu.memory_space<vmem>>)
      tpu.yield
    }) : () -> ()
    %dma_start3A_11 = arith.constant 0 : i32
    %dma_start3A_12 = arith.constant 0 : i32
    %dma_start3A_13 = tpu.memref_slice %arg2[%dma_start3A_11, %dma_start3A_12] : memref<32768x128xf32, #tpu.memory_space<hbm>> -> memref<32768x128xf32, #tpu.memory_space<hbm>>
    tpu.enqueue_indirect_dma source(%dma_start3A_13 : memref<32768x128xf32, #tpu.memory_space<hbm>>) target(%arg6 : memref<512x128xf32, #tpu.memory_space<vmem>>) offsets(%arg5 : memref<512xi32, #tpu.memory_space<vmem>>) semaphore(%arg7 : memref<!tpu.dma_semaphore, #tpu.memory_space<semaphore_mem>>)
    %dma_wait3A_14 = arith.constant 0 : i32
    %dma_wait3A_15 = arith.constant 0 : i32
    %dma_wait3A_16 = tpu.memref_slice %arg2[%dma_wait3A_14, %dma_wait3A_15] : memref<32768x128xf32, #tpu.memory_space<hbm>> -> memref<32768x128xf32, #tpu.memory_space<hbm>>
    tpu.wait_indirect_dma semaphore(%arg7 : memref<!tpu.dma_semaphore, #tpu.memory_space<semaphore_mem>>) src(%dma_wait3A_16 : memref<32768x128xf32, #tpu.memory_space<hbm>>) dst(%arg6 : memref<512x128xf32, #tpu.memory_space<vmem>>)
    "tpu.region"() ({
      %run_scoped3A = tpu.sem_alloc : memref<!tpu.dma_semaphore, #tpu.memory_space<semaphore_mem>>
      %dma_start3A_17 = arith.constant 0 : i32
      %dma_start3A_18 = tpu.memref_slice %arg4[%add3A_10, %dma_start3A_17] : memref<32768x128xf32, #tpu.memory_space<hbm>> -> memref<512x128xf32, #tpu.memory_space<hbm>>
      %dma_start3A_19 = arith.constant 0 : i32
      %dma_start3A_20 = tpu.memref_slice %arg4[%add3A_10, %dma_start3A_19] : memref<32768x128xf32, #tpu.memory_space<hbm>> -> memref<512x128xf32, #tpu.memory_space<hbm>>
      tpu.enqueue_dma source(%arg6 : memref<512x128xf32, #tpu.memory_space<vmem>>) target(%dma_start3A_20 : memref<512x128xf32, #tpu.memory_space<hbm>>) target_semaphore(%run_scoped3A : memref<!tpu.dma_semaphore, #tpu.memory_space<semaphore_mem>>)
      %dma_wait3A_21 = arith.constant 0 : i32
      %dma_wait3A_22 = tpu.memref_slice %arg4[%add3A_10, %dma_wait3A_21] : memref<32768x128xf32, #tpu.memory_space<hbm>> -> memref<512x128xf32, #tpu.memory_space<hbm>>
      %dma_wait3A_23 = arith.constant 0 : i32
      %dma_wait3A_24 = tpu.memref_slice %arg4[%add3A_10, %dma_wait3A_23] : memref<32768x128xf32, #tpu.memory_space<hbm>> -> memref<512x128xf32, #tpu.memory_space<hbm>>
      tpu.wait_dma2 semaphore(%run_scoped3A : memref<!tpu.dma_semaphore, #tpu.memory_space<semaphore_mem>>) src(%arg6 : memref<512x128xf32, #tpu.memory_space<vmem>>) dst(%dma_wait3A_24 : memref<512x128xf32, #tpu.memory_space<hbm>>)
      tpu.yield
    }) : () -> ()
    return
  }
}

module attributes {stable_mosaic.version = 14 : i64} {
  func.func @_fps_kernel(%arg0: memref<4x1xi32, #tpu.memory_space<vmem>>, %arg1: memref<4x3x8192xf32, #tpu.memory_space<vmem>>, %arg2: memref<4x3x512xf32, #tpu.memory_space<vmem>>) attributes {dimension_semantics = [], scalar_prefetch = 0 : i64, scratch_operands = 0 : i64, tpu.core_type = #tpu.core_type<tc>} {
    %get3A = arith.constant 0 : index
    %get3A_0 = arith.constant 0 : index
    %get3A_1 = arith.constant 0 : index
    %get3A_2 = vector.load %arg1[%get3A, %get3A_0, %get3A_1] : memref<4x3x8192xf32, #tpu.memory_space<vmem>>, vector<4x1x8192xf32>
    %get3A_3 = vector.shape_cast %get3A_2 : vector<4x1x8192xf32> to vector<4x8192xf32>
    %get3A_4 = arith.constant 0 : index
    %get3A_5 = arith.constant 1 : index
    %get3A_6 = arith.constant 0 : index
    %get3A_7 = vector.load %arg1[%get3A_4, %get3A_5, %get3A_6] : memref<4x3x8192xf32, #tpu.memory_space<vmem>>, vector<4x1x8192xf32>
    %get3A_8 = vector.shape_cast %get3A_7 : vector<4x1x8192xf32> to vector<4x8192xf32>
    %get3A_9 = arith.constant 0 : index
    %get3A_10 = arith.constant 2 : index
    %get3A_11 = arith.constant 0 : index
    %get3A_12 = vector.load %arg1[%get3A_9, %get3A_10, %get3A_11] : memref<4x3x8192xf32, #tpu.memory_space<vmem>>, vector<4x1x8192xf32>
    %get3A_13 = vector.shape_cast %get3A_12 : vector<4x1x8192xf32> to vector<4x8192xf32>
    %get3A_14 = arith.constant 0 : index
    %get3A_15 = arith.constant 0 : index
    %get3A_16 = vector.load %arg0[%get3A_14, %get3A_15] : memref<4x1xi32, #tpu.memory_space<vmem>>, vector<4x1xi32>
    %iota3A = tpu.iota {dimensions = array<i32: 1>} : vector<4x8192xi32>
    %iota3A_17 = tpu.iota {dimensions = array<i32: 1>} : vector<4x512xi32>
    %broadcast_in_dim3A = arith.constant 1.000000e+10 : f32
    %broadcast_in_dim3A_18 = vector.broadcast %broadcast_in_dim3A : f32 to vector<4x8192xf32>
    %broadcast_in_dim3A_19 = arith.constant 0.000000e+00 : f32
    %broadcast_in_dim3A_20 = vector.broadcast %broadcast_in_dim3A_19 : f32 to vector<4x512xf32>
    %broadcast_in_dim3A_21 = arith.constant 0.000000e+00 : f32
    %broadcast_in_dim3A_22 = vector.broadcast %broadcast_in_dim3A_21 : f32 to vector<4x512xf32>
    %broadcast_in_dim3A_23 = arith.constant 0.000000e+00 : f32
    %broadcast_in_dim3A_24 = vector.broadcast %broadcast_in_dim3A_23 : f32 to vector<4x512xf32>
    %scan3A = arith.constant 0 : i32
    %scan3A_25 = arith.constant 512 : i32
    %scan3A_26 = arith.addi %scan3A, %scan3A_25 : i32
    %scan3A_27 = arith.constant 1 : i32
    %scan3A_28:5 = scf.for %scan3A_47 = %scan3A to %scan3A_26 step %scan3A_27 iter_args(%scan3A_48 = %broadcast_in_dim3A_18, %scan3A_49 = %get3A_16, %scan3A_50 = %broadcast_in_dim3A_20, %scan3A_51 = %broadcast_in_dim3A_22, %scan3A_52 = %broadcast_in_dim3A_24) -> (vector<4x8192xf32>, vector<4x1xi32>, vector<4x512xf32>, vector<4x512xf32>, vector<4x512xf32>)  : i32 {
      %eq3A = vector.broadcast %scan3A_47 : i32 to vector<4x512xi32>
      %eq3A_53 = arith.cmpi eq, %iota3A_17, %eq3A : vector<4x512xi32>
      %eq3A_54 = vector.broadcast %scan3A_49 : vector<4x1xi32> to vector<4x8192xi32>
      %eq3A_55 = arith.cmpi eq, %iota3A, %eq3A_54 : vector<4x8192xi32>
      %convert_element_type3A = arith.extui %eq3A_55 : vector<4x8192xi1> to vector<4x8192xi32>
      %convert_element_type3A_56 = arith.sitofp %convert_element_type3A : vector<4x8192xi32> to vector<4x8192xf32>
      %mul3A = arith.mulf %get3A_3, %convert_element_type3A_56 : vector<4x8192xf32>
      %reduce_sum3A = arith.constant dense<0.000000e+00> : vector<4xf32>
      %reduce_sum3A_57 = vector.multi_reduction <add>, %mul3A, %reduce_sum3A [1] : vector<4x8192xf32> to vector<4xf32>
      %broadcast_in_dim3A_58 = vector.shape_cast %reduce_sum3A_57 : vector<4xf32> to vector<4x1xf32>
      %mul3A_59 = arith.mulf %get3A_8, %convert_element_type3A_56 : vector<4x8192xf32>
      %reduce_sum3A_60 = arith.constant dense<0.000000e+00> : vector<4xf32>
      %reduce_sum3A_61 = vector.multi_reduction <add>, %mul3A_59, %reduce_sum3A_60 [1] : vector<4x8192xf32> to vector<4xf32>
      %broadcast_in_dim3A_62 = vector.shape_cast %reduce_sum3A_61 : vector<4xf32> to vector<4x1xf32>
      %mul3A_63 = arith.mulf %get3A_13, %convert_element_type3A_56 : vector<4x8192xf32>
      %reduce_sum3A_64 = arith.constant dense<0.000000e+00> : vector<4xf32>
      %reduce_sum3A_65 = vector.multi_reduction <add>, %mul3A_63, %reduce_sum3A_64 [1] : vector<4x8192xf32> to vector<4xf32>
      %broadcast_in_dim3A_66 = vector.shape_cast %reduce_sum3A_65 : vector<4xf32> to vector<4x1xf32>
      %broadcast_in_dim3A_67 = vector.shape_cast %broadcast_in_dim3A_58 : vector<4x1xf32> to vector<4x1xf32>
      %broadcast_in_dim3A_68 = vector.broadcast %broadcast_in_dim3A_67 : vector<4x1xf32> to vector<4x512xf32>
      %select_n3A = arith.select %eq3A_53, %broadcast_in_dim3A_68, %scan3A_50 : vector<4x512xi1>, vector<4x512xf32>
      %broadcast_in_dim3A_69 = vector.shape_cast %broadcast_in_dim3A_62 : vector<4x1xf32> to vector<4x1xf32>
      %broadcast_in_dim3A_70 = vector.broadcast %broadcast_in_dim3A_69 : vector<4x1xf32> to vector<4x512xf32>
      %select_n3A_71 = arith.select %eq3A_53, %broadcast_in_dim3A_70, %scan3A_51 : vector<4x512xi1>, vector<4x512xf32>
      %broadcast_in_dim3A_72 = vector.shape_cast %broadcast_in_dim3A_66 : vector<4x1xf32> to vector<4x1xf32>
      %broadcast_in_dim3A_73 = vector.broadcast %broadcast_in_dim3A_72 : vector<4x1xf32> to vector<4x512xf32>
      %select_n3A_74 = arith.select %eq3A_53, %broadcast_in_dim3A_73, %scan3A_52 : vector<4x512xi1>, vector<4x512xf32>
      %sub3A = vector.broadcast %broadcast_in_dim3A_58 : vector<4x1xf32> to vector<4x8192xf32>
      %sub3A_75 = arith.subf %get3A_3, %sub3A : vector<4x8192xf32>
      %integer_pow3A = arith.mulf %sub3A_75, %sub3A_75 : vector<4x8192xf32>
      %sub3A_76 = vector.broadcast %broadcast_in_dim3A_62 : vector<4x1xf32> to vector<4x8192xf32>
      %sub3A_77 = arith.subf %get3A_8, %sub3A_76 : vector<4x8192xf32>
      %integer_pow3A_78 = arith.mulf %sub3A_77, %sub3A_77 : vector<4x8192xf32>
      %add3A = arith.addf %integer_pow3A, %integer_pow3A_78 : vector<4x8192xf32>
      %sub3A_79 = vector.broadcast %broadcast_in_dim3A_66 : vector<4x1xf32> to vector<4x8192xf32>
      %sub3A_80 = arith.subf %get3A_13, %sub3A_79 : vector<4x8192xf32>
      %integer_pow3A_81 = arith.mulf %sub3A_80, %sub3A_80 : vector<4x8192xf32>
      %add3A_82 = arith.addf %add3A, %integer_pow3A_81 : vector<4x8192xf32>
      %min3A = arith.minimumf %scan3A_48, %add3A_82 : vector<4x8192xf32>
      %reduce_max3A = arith.constant dense<0xFF800000> : vector<4xf32>
      %reduce_max3A_83 = vector.multi_reduction <maximumf>, %min3A, %reduce_max3A [1] : vector<4x8192xf32> to vector<4xf32>
      %broadcast_in_dim3A_84 = vector.shape_cast %reduce_max3A_83 : vector<4xf32> to vector<4x1xf32>
      %eq3A_85 = vector.broadcast %broadcast_in_dim3A_84 : vector<4x1xf32> to vector<4x8192xf32>
      %eq3A_86 = arith.cmpf oeq, %min3A, %eq3A_85 : vector<4x8192xf32>
      %jit3A = arith.constant 8192 : i32
      %broadcast_in_dim3A_87 = vector.broadcast %jit3A : i32 to vector<4x8192xi32>
      %select_n3A_88 = arith.select %eq3A_86, %iota3A, %broadcast_in_dim3A_87 : vector<4x8192xi1>, vector<4x8192xi32>
      %reduce_min3A = arith.constant dense<2147483647> : vector<4xi32>
      %reduce_min3A_89 = vector.multi_reduction <minsi>, %select_n3A_88, %reduce_min3A [1] : vector<4x8192xi32> to vector<4xi32>
      %broadcast_in_dim3A_90 = vector.shape_cast %reduce_min3A_89 : vector<4xi32> to vector<4x1xi32>
      scf.yield %min3A, %broadcast_in_dim3A_90, %select_n3A, %select_n3A_71, %select_n3A_74 : vector<4x8192xf32>, vector<4x1xi32>, vector<4x512xf32>, vector<4x512xf32>, vector<4x512xf32>
    }
    %scan3A_29 = arith.constant 512 : i32
    %swap3A = arith.constant 0 : index
    %swap3A_30 = arith.constant 0 : index
    %swap3A_31 = arith.constant 0 : index
    %swap3A_32 = vector.load %arg2[%swap3A, %swap3A_30, %swap3A_31] : memref<4x3x512xf32, #tpu.memory_space<vmem>>, vector<4x1x512xf32>
    %swap3A_33 = vector.shape_cast %swap3A_32 : vector<4x1x512xf32> to vector<4x512xf32>
    %swap3A_34 = vector.shape_cast %scan3A_28#2 : vector<4x512xf32> to vector<4x1x512xf32>
    tpu.vector_store %arg2[%swap3A, %swap3A_30, %swap3A_31], %swap3A_34 {strides = array<i32>} : memref<4x3x512xf32, #tpu.memory_space<vmem>>, vector<4x1x512xf32>,
    %swap3A_35 = arith.constant 0 : index
    %swap3A_36 = arith.constant 1 : index
    %swap3A_37 = arith.constant 0 : index
    %swap3A_38 = vector.load %arg2[%swap3A_35, %swap3A_36, %swap3A_37] : memref<4x3x512xf32, #tpu.memory_space<vmem>>, vector<4x1x512xf32>
    %swap3A_39 = vector.shape_cast %swap3A_38 : vector<4x1x512xf32> to vector<4x512xf32>
    %swap3A_40 = vector.shape_cast %scan3A_28#3 : vector<4x512xf32> to vector<4x1x512xf32>
    tpu.vector_store %arg2[%swap3A_35, %swap3A_36, %swap3A_37], %swap3A_40 {strides = array<i32>} : memref<4x3x512xf32, #tpu.memory_space<vmem>>, vector<4x1x512xf32>,
    %swap3A_41 = arith.constant 0 : index
    %swap3A_42 = arith.constant 2 : index
    %swap3A_43 = arith.constant 0 : index
    %swap3A_44 = vector.load %arg2[%swap3A_41, %swap3A_42, %swap3A_43] : memref<4x3x512xf32, #tpu.memory_space<vmem>>, vector<4x1x512xf32>
    %swap3A_45 = vector.shape_cast %swap3A_44 : vector<4x1x512xf32> to vector<4x512xf32>
    %swap3A_46 = vector.shape_cast %scan3A_28#4 : vector<4x512xf32> to vector<4x1x512xf32>
    tpu.vector_store %arg2[%swap3A_41, %swap3A_42, %swap3A_43], %swap3A_46 {strides = array<i32>} : memref<4x3x512xf32, #tpu.memory_space<vmem>>, vector<4x1x512xf32>,
    return
  }
}

module attributes {stable_mosaic.version = 14 : i64} {
  func.func @_ballq_idx_kernel(%arg0: i32, %arg1: i32, %arg2: memref<1x8192x3xf32, #tpu.memory_space<vmem>>, %arg3: memref<1x3x128xf32, #tpu.memory_space<vmem>>, %arg4: memref<32x128xi32, #tpu.memory_space<vmem>>) attributes {dimension_semantics = [#tpu.dimension_semantics<arbitrary>, #tpu.dimension_semantics<arbitrary>], iteration_bounds = array<i64: 4, 4>, scalar_prefetch = 0 : i64, scratch_operands = 0 : i64, tpu.core_type = #tpu.core_type<tc>, window_params = [{transform_indices = @transform_0, window_bounds = array<i64: 1, 8192, 3>}, {transform_indices = @transform_1, window_bounds = array<i64: 1, 3, 128>}, {transform_indices = @transform_2, window_bounds = array<i64: 32, 128>}]} {
    %get3A = arith.constant 0 : index
    %get3A_0 = arith.constant 0 : index
    %get3A_1 = arith.constant 0 : index
    %get3A_2 = vector.load %arg2[%get3A, %get3A_0, %get3A_1] : memref<1x8192x3xf32, #tpu.memory_space<vmem>>, vector<1x8192x3xf32>
    %get3A_3 = vector.shape_cast %get3A_2 : vector<1x8192x3xf32> to vector<8192x3xf32>
    %get3A_4 = arith.constant 0 : index
    %get3A_5 = arith.constant 0 : index
    %get3A_6 = arith.constant 0 : index
    %get3A_7 = vector.load %arg3[%get3A_4, %get3A_5, %get3A_6] : memref<1x3x128xf32, #tpu.memory_space<vmem>>, vector<1x3x128xf32>
    %get3A_8 = vector.shape_cast %get3A_7 : vector<1x3x128xf32> to vector<3x128xf32>
    %mul3A = arith.mulf %get3A_3, %get3A_3 : vector<8192x3xf32>
    %reduce_sum3A = arith.constant dense<0.000000e+00> : vector<8192xf32>
    %reduce_sum3A_9 = vector.multi_reduction <add>, %mul3A, %reduce_sum3A [1] : vector<8192x3xf32> to vector<8192xf32>
    %broadcast_in_dim3A = vector.shape_cast %reduce_sum3A_9 : vector<8192xf32> to vector<8192x1xf32>
    %mul3A_10 = arith.mulf %get3A_8, %get3A_8 : vector<3x128xf32>
    %reduce_sum3A_11 = arith.constant dense<0.000000e+00> : vector<128xf32>
    %reduce_sum3A_12 = vector.multi_reduction <add>, %mul3A_10, %reduce_sum3A_11 [0] : vector<3x128xf32> to vector<128xf32>
    %broadcast_in_dim3A_13 = vector.shape_cast %reduce_sum3A_12 : vector<128xf32> to vector<1x128xf32>
    %dot_general3A = arith.constant dense<0.000000e+00> : vector<8192x128xf32>
    %dot_general3A_14 = tpu.matmul %get3A_3, %get3A_8, %dot_general3A {dimension_numbers = #tpu.dot_dimension_numbers<[1], [0], [0], [1], [0, 0, 1, 1], [], []>, transpose_lhs_hint = false} : vector<8192x3xf32>, vector<3x128xf32>, vector<8192x128xf32> -> vector<8192x128xf32>
    %mul3A_15 = arith.constant -2.000000e+00 : f32
    %mul3A_16 = vector.broadcast %mul3A_15 : f32 to vector<8192x128xf32>
    %mul3A_17 = arith.mulf %mul3A_16, %dot_general3A_14 : vector<8192x128xf32>
    %add3A = vector.broadcast %broadcast_in_dim3A_13 : vector<1x128xf32> to vector<8192x128xf32>
    %add3A_18 = arith.addf %mul3A_17, %add3A : vector<8192x128xf32>
    %add3A_19 = vector.broadcast %broadcast_in_dim3A : vector<8192x1xf32> to vector<8192x128xf32>
    %add3A_20 = arith.addf %add3A_18, %add3A_19 : vector<8192x128xf32>
    %gt3A = arith.constant 1.600000e-01 : f32
    %gt3A_21 = vector.broadcast %gt3A : f32 to vector<8192x128xf32>
    %gt3A_22 = arith.cmpf ogt, %add3A_20, %gt3A_21 : vector<8192x128xf32>
    %not3A = arith.constant dense<true> : vector<8192x128xi1>
    %not3A_23 = arith.xori %gt3A_22, %not3A : vector<8192x128xi1>
    %convert_element_type3A = arith.extui %not3A_23 : vector<8192x128xi1> to vector<8192x128xi32>
    %convert_element_type3A_24 = arith.sitofp %convert_element_type3A : vector<8192x128xi32> to vector<8192x128xf32>
    %broadcast_in_dim3A_25 = arith.constant 0.000000e+00 : f32
    %broadcast_in_dim3A_26 = vector.broadcast %broadcast_in_dim3A_25 : f32 to vector<1x128xf32>
    %slice3A = vector.extract_strided_slice %convert_element_type3A_24 {offsets = [0, 0], sizes = [8191, 128], strides = [1, 1]} : vector<8192x128xf32> to vector<8191x128xf32>
    %concatenate3A = tpu.concatenate %broadcast_in_dim3A_26, %slice3A in 0 : vector<1x128xf32>, vector<8191x128xf32> -> vector<8192x128xf32>
    %add3A_27 = arith.addf %convert_element_type3A_24, %concatenate3A : vector<8192x128xf32>
    %broadcast_in_dim3A_28 = arith.constant 0.000000e+00 : f32
    %broadcast_in_dim3A_29 = vector.broadcast %broadcast_in_dim3A_28 : f32 to vector<2x128xf32>
    %slice3A_30 = vector.extract_strided_slice %add3A_27 {offsets = [0, 0], sizes = [8190, 128], strides = [1, 1]} : vector<8192x128xf32> to vector<8190x128xf32>
    %concatenate3A_31 = tpu.concatenate %broadcast_in_dim3A_29, %slice3A_30 in 0 : vector<2x128xf32>, vector<8190x128xf32> -> vector<8192x128xf32>
    %add3A_32 = arith.addf %add3A_27, %concatenate3A_31 : vector<8192x128xf32>
    %broadcast_in_dim3A_33 = arith.constant 0.000000e+00 : f32
    %broadcast_in_dim3A_34 = vector.broadcast %broadcast_in_dim3A_33 : f32 to vector<4x128xf32>
    %slice3A_35 = vector.extract_strided_slice %add3A_32 {offsets = [0, 0], sizes = [8188, 128], strides = [1, 1]} : vector<8192x128xf32> to vector<8188x128xf32>
    %concatenate3A_36 = tpu.concatenate %broadcast_in_dim3A_34, %slice3A_35 in 0 : vector<4x128xf32>, vector<8188x128xf32> -> vector<8192x128xf32>
    %add3A_37 = arith.addf %add3A_32, %concatenate3A_36 : vector<8192x128xf32>
    %broadcast_in_dim3A_38 = arith.constant 0.000000e+00 : f32
    %broadcast_in_dim3A_39 = vector.broadcast %broadcast_in_dim3A_38 : f32 to vector<8x128xf32>
    %slice3A_40 = vector.extract_strided_slice %add3A_37 {offsets = [0, 0], sizes = [8184, 128], strides = [1, 1]} : vector<8192x128xf32> to vector<8184x128xf32>
    %concatenate3A_41 = tpu.concatenate %broadcast_in_dim3A_39, %slice3A_40 in 0 : vector<8x128xf32>, vector<8184x128xf32> -> vector<8192x128xf32>
    %add3A_42 = arith.addf %add3A_37, %concatenate3A_41 : vector<8192x128xf32>
    %broadcast_in_dim3A_43 = arith.constant 0.000000e+00 : f32
    %broadcast_in_dim3A_44 = vector.broadcast %broadcast_in_dim3A_43 : f32 to vector<16x128xf32>
    %slice3A_45 = vector.extract_strided_slice %add3A_42 {offsets = [0, 0], sizes = [8176, 128], strides = [1, 1]} : vector<8192x128xf32> to vector<8176x128xf32>
    %concatenate3A_46 = tpu.concatenate %broadcast_in_dim3A_44, %slice3A_45 in 0 : vector<16x128xf32>, vector<8176x128xf32> -> vector<8192x128xf32>
    %add3A_47 = arith.addf %add3A_42, %concatenate3A_46 : vector<8192x128xf32>
    %broadcast_in_dim3A_48 = arith.constant 0.000000e+00 : f32
    %broadcast_in_dim3A_49 = vector.broadcast %broadcast_in_dim3A_48 : f32 to vector<32x128xf32>
    %slice3A_50 = vector.extract_strided_slice %add3A_47 {offsets = [0, 0], sizes = [8160, 128], strides = [1, 1]} : vector<8192x128xf32> to vector<8160x128xf32>
    %concatenate3A_51 = tpu.concatenate %broadcast_in_dim3A_49, %slice3A_50 in 0 : vector<32x128xf32>, vector<8160x128xf32> -> vector<8192x128xf32>
    %add3A_52 = arith.addf %add3A_47, %concatenate3A_51 : vector<8192x128xf32>
    %broadcast_in_dim3A_53 = arith.constant 0.000000e+00 : f32
    %broadcast_in_dim3A_54 = vector.broadcast %broadcast_in_dim3A_53 : f32 to vector<64x128xf32>
    %slice3A_55 = vector.extract_strided_slice %add3A_52 {offsets = [0, 0], sizes = [8128, 128], strides = [1, 1]} : vector<8192x128xf32> to vector<8128x128xf32>
    %concatenate3A_56 = tpu.concatenate %broadcast_in_dim3A_54, %slice3A_55 in 0 : vector<64x128xf32>, vector<8128x128xf32> -> vector<8192x128xf32>
    %add3A_57 = arith.addf %add3A_52, %concatenate3A_56 : vector<8192x128xf32>
    %broadcast_in_dim3A_58 = arith.constant 0.000000e+00 : f32
    %broadcast_in_dim3A_59 = vector.broadcast %broadcast_in_dim3A_58 : f32 to vector<128x128xf32>
    %slice3A_60 = vector.extract_strided_slice %add3A_57 {offsets = [0, 0], sizes = [8064, 128], strides = [1, 1]} : vector<8192x128xf32> to vector<8064x128xf32>
    %concatenate3A_61 = tpu.concatenate %broadcast_in_dim3A_59, %slice3A_60 in 0 : vector<128x128xf32>, vector<8064x128xf32> -> vector<8192x128xf32>
    %add3A_62 = arith.addf %add3A_57, %concatenate3A_61 : vector<8192x128xf32>
    %broadcast_in_dim3A_63 = arith.constant 0.000000e+00 : f32
    %broadcast_in_dim3A_64 = vector.broadcast %broadcast_in_dim3A_63 : f32 to vector<256x128xf32>
    %slice3A_65 = vector.extract_strided_slice %add3A_62 {offsets = [0, 0], sizes = [7936, 128], strides = [1, 1]} : vector<8192x128xf32> to vector<7936x128xf32>
    %concatenate3A_66 = tpu.concatenate %broadcast_in_dim3A_64, %slice3A_65 in 0 : vector<256x128xf32>, vector<7936x128xf32> -> vector<8192x128xf32>
    %add3A_67 = arith.addf %add3A_62, %concatenate3A_66 : vector<8192x128xf32>
    %broadcast_in_dim3A_68 = arith.constant 0.000000e+00 : f32
    %broadcast_in_dim3A_69 = vector.broadcast %broadcast_in_dim3A_68 : f32 to vector<512x128xf32>
    %slice3A_70 = vector.extract_strided_slice %add3A_67 {offsets = [0, 0], sizes = [7680, 128], strides = [1, 1]} : vector<8192x128xf32> to vector<7680x128xf32>
    %concatenate3A_71 = tpu.concatenate %broadcast_in_dim3A_69, %slice3A_70 in 0 : vector<512x128xf32>, vector<7680x128xf32> -> vector<8192x128xf32>
    %add3A_72 = arith.addf %add3A_67, %concatenate3A_71 : vector<8192x128xf32>
    %broadcast_in_dim3A_73 = arith.constant 0.000000e+00 : f32
    %broadcast_in_dim3A_74 = vector.broadcast %broadcast_in_dim3A_73 : f32 to vector<1024x128xf32>
    %slice3A_75 = vector.extract_strided_slice %add3A_72 {offsets = [0, 0], sizes = [7168, 128], strides = [1, 1]} : vector<8192x128xf32> to vector<7168x128xf32>
    %concatenate3A_76 = tpu.concatenate %broadcast_in_dim3A_74, %slice3A_75 in 0 : vector<1024x128xf32>, vector<7168x128xf32> -> vector<8192x128xf32>
    %add3A_77 = arith.addf %add3A_72, %concatenate3A_76 : vector<8192x128xf32>
    %broadcast_in_dim3A_78 = arith.constant 0.000000e+00 : f32
    %broadcast_in_dim3A_79 = vector.broadcast %broadcast_in_dim3A_78 : f32 to vector<2048x128xf32>
    %slice3A_80 = vector.extract_strided_slice %add3A_77 {offsets = [0, 0], sizes = [6144, 128], strides = [1, 1]} : vector<8192x128xf32> to vector<6144x128xf32>
    %concatenate3A_81 = tpu.concatenate %broadcast_in_dim3A_79, %slice3A_80 in 0 : vector<2048x128xf32>, vector<6144x128xf32> -> vector<8192x128xf32>
    %add3A_82 = arith.addf %add3A_77, %concatenate3A_81 : vector<8192x128xf32>
    %broadcast_in_dim3A_83 = arith.constant 0.000000e+00 : f32
    %broadcast_in_dim3A_84 = vector.broadcast %broadcast_in_dim3A_83 : f32 to vector<4096x128xf32>
    %slice3A_85 = vector.extract_strided_slice %add3A_82 {offsets = [0, 0], sizes = [4096, 128], strides = [1, 1]} : vector<8192x128xf32> to vector<4096x128xf32>
    %concatenate3A_86 = tpu.concatenate %broadcast_in_dim3A_84, %slice3A_85 in 0 : vector<4096x128xf32>, vector<4096x128xf32> -> vector<8192x128xf32>
    %add3A_87 = arith.addf %add3A_82, %concatenate3A_86 : vector<8192x128xf32>
    %slice3A_88 = vector.extract_strided_slice %add3A_87 {offsets = [8191, 0], sizes = [1, 128], strides = [1, 1]} : vector<8192x128xf32> to vector<1x128xf32>
    %jit3A = arith.constant 0.000000e+00 : f32
    %broadcast_in_dim3A_89 = vector.broadcast %jit3A : f32 to vector<8192x128xf32>
    %select_n3A = arith.select %not3A_23, %add3A_87, %broadcast_in_dim3A_89 : vector<8192x128xi1>, vector<8192x128xf32>
    %iota3A = tpu.iota {dimensions = array<i32: 1>} : vector<1x8192xi32>
    %convert_element_type3A_90 = arith.sitofp %iota3A : vector<1x8192xi32> to vector<1x8192xf32>
    %mul3A_91 = arith.constant 8192 : i32
    %mul3A_92 = arith.muli %arg0, %mul3A_91 : i32
    %convert_element_type3A_93 = arith.sitofp %mul3A_92 : i32 to f32
    %eq3A = arith.constant 1.000000e+00 : f32
    %eq3A_94 = vector.broadcast %eq3A : f32 to vector<8192x128xf32>
    %eq3A_95 = arith.cmpf oeq, %select_n3A, %eq3A_94 : vector<8192x128xf32>
    %jit3A_96 = arith.constant 1.000000e+00 : f32
    %jit3A_97 = arith.constant 0.000000e+00 : f32
    %broadcast_in_dim3A_98 = vector.broadcast %jit3A_96 : f32 to vector<8192x128xf32>
    %broadcast_in_dim3A_99 = vector.broadcast %jit3A_97 : f32 to vector<8192x128xf32>
    %select_n3A_100 = arith.select %eq3A_95, %broadcast_in_dim3A_98, %broadcast_in_dim3A_99 : vector<8192x128xi1>, vector<8192x128xf32>
    %dot_general3A_101 = arith.constant dense<0.000000e+00> : vector<1x128xf32>
    %dot_general3A_102 = tpu.matmul %convert_element_type3A_90, %select_n3A_100, %dot_general3A_101 {dimension_numbers = #tpu.dot_dimension_numbers<[1], [0], [0], [1], [0, 0, 1, 1], [], []>, transpose_lhs_hint = false} : vector<1x8192xf32>, vector<8192x128xf32>, vector<1x128xf32> -> vector<1x128xf32>
    %add3A_103 = vector.broadcast %convert_element_type3A_93 : f32 to vector<1x128xf32>
    %add3A_104 = arith.addf %dot_general3A_102, %add3A_103 : vector<1x128xf32>
    %convert_element_type3A_105 = arith.fptosi %add3A_104 : vector<1x128xf32> to vector<1x128xi32>
    %swap3A = arith.constant 0 : index
    %swap3A_106 = arith.constant 0 : index
    %swap3A_107 = vector.load %arg4[%swap3A, %swap3A_106] : memref<32x128xi32, #tpu.memory_space<vmem>>, vector<1x128xi32>
    tpu.vector_store %arg4[%swap3A, %swap3A_106], %convert_element_type3A_105 {strides = array<i32>} : memref<32x128xi32, #tpu.memory_space<vmem>>, vector<1x128xi32>,
    %eq3A_108 = arith.constant 2.000000e+00 : f32
    %eq3A_109 = vector.broadcast %eq3A_108 : f32 to vector<8192x128xf32>
    %eq3A_110 = arith.cmpf oeq, %select_n3A, %eq3A_109 : vector<8192x128xf32>
    %jit3A_111 = arith.constant 1.000000e+00 : f32
    %jit3A_112 = arith.constant 0.000000e+00 : f32
    %broadcast_in_dim3A_113 = vector.broadcast %jit3A_111 : f32 to vector<8192x128xf32>
    %broadcast_in_dim3A_114 = vector.broadcast %jit3A_112 : f32 to vector<8192x128xf32>
    %select_n3A_115 = arith.select %eq3A_110, %broadcast_in_dim3A_113, %broadcast_in_dim3A_114 : vector<8192x128xi1>, vector<8192x128xf32>
    %dot_general3A_116 = arith.constant dense<0.000000e+00> : vector<1x128xf32>
    %dot_general3A_117 = tpu.matmul %convert_element_type3A_90, %select_n3A_115, %dot_general3A_116 {dimension_numbers = #tpu.dot_dimension_numbers<[1], [0], [0], [1], [0, 0, 1, 1], [], []>, transpose_lhs_hint = false} : vector<1x8192xf32>, vector<8192x128xf32>, vector<1x128xf32> -> vector<1x128xf32>
    %gt3A_118 = arith.constant 1.000000e+00 : f32
    %gt3A_119 = vector.broadcast %gt3A_118 : f32 to vector<1x128xf32>
    %gt3A_120 = arith.cmpf ogt, %slice3A_88, %gt3A_119 : vector<1x128xf32>
    %select_n3A_121 = arith.select %gt3A_120, %dot_general3A_117, %dot_general3A_102 : vector<1x128xi1>, vector<1x128xf32>
    %add3A_122 = vector.broadcast %convert_element_type3A_93 : f32 to vector<1x128xf32>
    %add3A_123 = arith.addf %select_n3A_121, %add3A_122 : vector<1x128xf32>
    %convert_element_type3A_124 = arith.fptosi %add3A_123 : vector<1x128xf32> to vector<1x128xi32>
    %swap3A_125 = arith.constant 1 : index
    %swap3A_126 = arith.constant 0 : index
    %swap3A_127 = vector.load %arg4[%swap3A_125, %swap3A_126] : memref<32x128xi32, #tpu.memory_space<vmem>>, vector<1x128xi32>
    tpu.vector_store %arg4[%swap3A_125, %swap3A_126], %convert_element_type3A_124 {strides = array<i32>} : memref<32x128xi32, #tpu.memory_space<vmem>>, vector<1x128xi32>,
    %eq3A_128 = arith.constant 3.000000e+00 : f32
    %eq3A_129 = vector.broadcast %eq3A_128 : f32 to vector<8192x128xf32>
    %eq3A_130 = arith.cmpf oeq, %select_n3A, %eq3A_129 : vector<8192x128xf32>
    %jit3A_131 = arith.constant 1.000000e+00 : f32
    %jit3A_132 = arith.constant 0.000000e+00 : f32
    %broadcast_in_dim3A_133 = vector.broadcast %jit3A_131 : f32 to vector<8192x128xf32>
    %broadcast_in_dim3A_134 = vector.broadcast %jit3A_132 : f32 to vector<8192x128xf32>
    %select_n3A_135 = arith.select %eq3A_130, %broadcast_in_dim3A_133, %broadcast_in_dim3A_134 : vector<8192x128xi1>, vector<8192x128xf32>
    %dot_general3A_136 = arith.constant dense<0.000000e+00> : vector<1x128xf32>
    %dot_general3A_137 = tpu.matmul %convert_element_type3A_90, %select_n3A_135, %dot_general3A_136 {dimension_numbers = #tpu.dot_dimension_numbers<[1], [0], [0], [1], [0, 0, 1, 1], [], []>, transpose_lhs_hint = false} : vector<1x8192xf32>, vector<8192x128xf32>, vector<1x128xf32> -> vector<1x128xf32>
    %gt3A_138 = arith.constant 2.000000e+00 : f32
    %gt3A_139 = vector.broadcast %gt3A_138 : f32 to vector<1x128xf32>
    %gt3A_140 = arith.cmpf ogt, %slice3A_88, %gt3A_139 : vector<1x128xf32>
    %select_n3A_141 = arith.select %gt3A_140, %dot_general3A_137, %dot_general3A_102 : vector<1x128xi1>, vector<1x128xf32>
    %add3A_142 = vector.broadcast %convert_element_type3A_93 : f32 to vector<1x128xf32>
    %add3A_143 = arith.addf %select_n3A_141, %add3A_142 : vector<1x128xf32>
    %convert_element_type3A_144 = arith.fptosi %add3A_143 : vector<1x128xf32> to vector<1x128xi32>
    %swap3A_145 = arith.constant 2 : index
    %swap3A_146 = arith.constant 0 : index
    %swap3A_147 = vector.load %arg4[%swap3A_145, %swap3A_146] : memref<32x128xi32, #tpu.memory_space<vmem>>, vector<1x128xi32>
    tpu.vector_store %arg4[%swap3A_145, %swap3A_146], %convert_element_type3A_144 {strides = array<i32>} : memref<32x128xi32, #tpu.memory_space<vmem>>, vector<1x128xi32>,
    %eq3A_148 = arith.constant 4.000000e+00 : f32
    %eq3A_149 = vector.broadcast %eq3A_148 : f32 to vector<8192x128xf32>
    %eq3A_150 = arith.cmpf oeq, %select_n3A, %eq3A_149 : vector<8192x128xf32>
    %jit3A_151 = arith.constant 1.000000e+00 : f32
    %jit3A_152 = arith.constant 0.000000e+00 : f32
    %broadcast_in_dim3A_153 = vector.broadcast %jit3A_151 : f32 to vector<8192x128xf32>
    %broadcast_in_dim3A_154 = vector.broadcast %jit3A_152 : f32 to vector<8192x128xf32>
    %select_n3A_155 = arith.select %eq3A_150, %broadcast_in_dim3A_153, %broadcast_in_dim3A_154 : vector<8192x128xi1>, vector<8192x128xf32>
    %dot_general3A_156 = arith.constant dense<0.000000e+00> : vector<1x128xf32>
    %dot_general3A_157 = tpu.matmul %convert_element_type3A_90, %select_n3A_155, %dot_general3A_156 {dimension_numbers = #tpu.dot_dimension_numbers<[1], [0], [0], [1], [0, 0, 1, 1], [], []>, transpose_lhs_hint = false} : vector<1x8192xf32>, vector<8192x128xf32>, vector<1x128xf32> -> vector<1x128xf32>
    %gt3A_158 = arith.constant 3.000000e+00 : f32
    %gt3A_159 = vector.broadcast %gt3A_158 : f32 to vector<1x128xf32>
    %gt3A_160 = arith.cmpf ogt, %slice3A_88, %gt3A_159 : vector<1x128xf32>
    %select_n3A_161 = arith.select %gt3A_160, %dot_general3A_157, %dot_general3A_102 : vector<1x128xi1>, vector<1x128xf32>
    %add3A_162 = vector.broadcast %convert_element_type3A_93 : f32 to vector<1x128xf32>
    %add3A_163 = arith.addf %select_n3A_161, %add3A_162 : vector<1x128xf32>
    %convert_element_type3A_164 = arith.fptosi %add3A_163 : vector<1x128xf32> to vector<1x128xi32>
    %swap3A_165 = arith.constant 3 : index
    %swap3A_166 = arith.constant 0 : index
    %swap3A_167 = vector.load %arg4[%swap3A_165, %swap3A_166] : memref<32x128xi32, #tpu.memory_space<vmem>>, vector<1x128xi32>
    tpu.vector_store %arg4[%swap3A_165, %swap3A_166], %convert_element_type3A_164 {strides = array<i32>} : memref<32x128xi32, #tpu.memory_space<vmem>>, vector<1x128xi32>,
    %eq3A_168 = arith.constant 5.000000e+00 : f32
    %eq3A_169 = vector.broadcast %eq3A_168 : f32 to vector<8192x128xf32>
    %eq3A_170 = arith.cmpf oeq, %select_n3A, %eq3A_169 : vector<8192x128xf32>
    %jit3A_171 = arith.constant 1.000000e+00 : f32
    %jit3A_172 = arith.constant 0.000000e+00 : f32
    %broadcast_in_dim3A_173 = vector.broadcast %jit3A_171 : f32 to vector<8192x128xf32>
    %broadcast_in_dim3A_174 = vector.broadcast %jit3A_172 : f32 to vector<8192x128xf32>
    %select_n3A_175 = arith.select %eq3A_170, %broadcast_in_dim3A_173, %broadcast_in_dim3A_174 : vector<8192x128xi1>, vector<8192x128xf32>
    %dot_general3A_176 = arith.constant dense<0.000000e+00> : vector<1x128xf32>
    %dot_general3A_177 = tpu.matmul %convert_element_type3A_90, %select_n3A_175, %dot_general3A_176 {dimension_numbers = #tpu.dot_dimension_numbers<[1], [0], [0], [1], [0, 0, 1, 1], [], []>, transpose_lhs_hint = false} : vector<1x8192xf32>, vector<8192x128xf32>, vector<1x128xf32> -> vector<1x128xf32>
    %gt3A_178 = arith.constant 4.000000e+00 : f32
    %gt3A_179 = vector.broadcast %gt3A_178 : f32 to vector<1x128xf32>
    %gt3A_180 = arith.cmpf ogt, %slice3A_88, %gt3A_179 : vector<1x128xf32>
    %select_n3A_181 = arith.select %gt3A_180, %dot_general3A_177, %dot_general3A_102 : vector<1x128xi1>, vector<1x128xf32>
    %add3A_182 = vector.broadcast %convert_element_type3A_93 : f32 to vector<1x128xf32>
    %add3A_183 = arith.addf %select_n3A_181, %add3A_182 : vector<1x128xf32>
    %convert_element_type3A_184 = arith.fptosi %add3A_183 : vector<1x128xf32> to vector<1x128xi32>
    %swap3A_185 = arith.constant 4 : index
    %swap3A_186 = arith.constant 0 : index
    %swap3A_187 = vector.load %arg4[%swap3A_185, %swap3A_186] : memref<32x128xi32, #tpu.memory_space<vmem>>, vector<1x128xi32>
    tpu.vector_store %arg4[%swap3A_185, %swap3A_186], %convert_element_type3A_184 {strides = array<i32>} : memref<32x128xi32, #tpu.memory_space<vmem>>, vector<1x128xi32>,
    %eq3A_188 = arith.constant 6.000000e+00 : f32
    %eq3A_189 = vector.broadcast %eq3A_188 : f32 to vector<8192x128xf32>
    %eq3A_190 = arith.cmpf oeq, %select_n3A, %eq3A_189 : vector<8192x128xf32>
    %jit3A_191 = arith.constant 1.000000e+00 : f32
    %jit3A_192 = arith.constant 0.000000e+00 : f32
    %broadcast_in_dim3A_193 = vector.broadcast %jit3A_191 : f32 to vector<8192x128xf32>
    %broadcast_in_dim3A_194 = vector.broadcast %jit3A_192 : f32 to vector<8192x128xf32>
    %select_n3A_195 = arith.select %eq3A_190, %broadcast_in_dim3A_193, %broadcast_in_dim3A_194 : vector<8192x128xi1>, vector<8192x128xf32>
    %dot_general3A_196 = arith.constant dense<0.000000e+00> : vector<1x128xf32>
    %dot_general3A_197 = tpu.matmul %convert_element_type3A_90, %select_n3A_195, %dot_general3A_196 {dimension_numbers = #tpu.dot_dimension_numbers<[1], [0], [0], [1], [0, 0, 1, 1], [], []>, transpose_lhs_hint = false} : vector<1x8192xf32>, vector<8192x128xf32>, vector<1x128xf32> -> vector<1x128xf32>
    %gt3A_198 = arith.constant 5.000000e+00 : f32
    %gt3A_199 = vector.broadcast %gt3A_198 : f32 to vector<1x128xf32>
    %gt3A_200 = arith.cmpf ogt, %slice3A_88, %gt3A_199 : vector<1x128xf32>
    %select_n3A_201 = arith.select %gt3A_200, %dot_general3A_197, %dot_general3A_102 : vector<1x128xi1>, vector<1x128xf32>
    %add3A_202 = vector.broadcast %convert_element_type3A_93 : f32 to vector<1x128xf32>
    %add3A_203 = arith.addf %select_n3A_201, %add3A_202 : vector<1x128xf32>
    %convert_element_type3A_204 = arith.fptosi %add3A_203 : vector<1x128xf32> to vector<1x128xi32>
    %swap3A_205 = arith.constant 5 : index
    %swap3A_206 = arith.constant 0 : index
    %swap3A_207 = vector.load %arg4[%swap3A_205, %swap3A_206] : memref<32x128xi32, #tpu.memory_space<vmem>>, vector<1x128xi32>
    tpu.vector_store %arg4[%swap3A_205, %swap3A_206], %convert_element_type3A_204 {strides = array<i32>} : memref<32x128xi32, #tpu.memory_space<vmem>>, vector<1x128xi32>,
    %eq3A_208 = arith.constant 7.000000e+00 : f32
    %eq3A_209 = vector.broadcast %eq3A_208 : f32 to vector<8192x128xf32>
    %eq3A_210 = arith.cmpf oeq, %select_n3A, %eq3A_209 : vector<8192x128xf32>
    %jit3A_211 = arith.constant 1.000000e+00 : f32
    %jit3A_212 = arith.constant 0.000000e+00 : f32
    %broadcast_in_dim3A_213 = vector.broadcast %jit3A_211 : f32 to vector<8192x128xf32>
    %broadcast_in_dim3A_214 = vector.broadcast %jit3A_212 : f32 to vector<8192x128xf32>
    %select_n3A_215 = arith.select %eq3A_210, %broadcast_in_dim3A_213, %broadcast_in_dim3A_214 : vector<8192x128xi1>, vector<8192x128xf32>
    %dot_general3A_216 = arith.constant dense<0.000000e+00> : vector<1x128xf32>
    %dot_general3A_217 = tpu.matmul %convert_element_type3A_90, %select_n3A_215, %dot_general3A_216 {dimension_numbers = #tpu.dot_dimension_numbers<[1], [0], [0], [1], [0, 0, 1, 1], [], []>, transpose_lhs_hint = false} : vector<1x8192xf32>, vector<8192x128xf32>, vector<1x128xf32> -> vector<1x128xf32>
    %gt3A_218 = arith.constant 6.000000e+00 : f32
    %gt3A_219 = vector.broadcast %gt3A_218 : f32 to vector<1x128xf32>
    %gt3A_220 = arith.cmpf ogt, %slice3A_88, %gt3A_219 : vector<1x128xf32>
    %select_n3A_221 = arith.select %gt3A_220, %dot_general3A_217, %dot_general3A_102 : vector<1x128xi1>, vector<1x128xf32>
    %add3A_222 = vector.broadcast %convert_element_type3A_93 : f32 to vector<1x128xf32>
    %add3A_223 = arith.addf %select_n3A_221, %add3A_222 : vector<1x128xf32>
    %convert_element_type3A_224 = arith.fptosi %add3A_223 : vector<1x128xf32> to vector<1x128xi32>
    %swap3A_225 = arith.constant 6 : index
    %swap3A_226 = arith.constant 0 : index
    %swap3A_227 = vector.load %arg4[%swap3A_225, %swap3A_226] : memref<32x128xi32, #tpu.memory_space<vmem>>, vector<1x128xi32>
    tpu.vector_store %arg4[%swap3A_225, %swap3A_226], %convert_element_type3A_224 {strides = array<i32>} : memref<32x128xi32, #tpu.memory_space<vmem>>, vector<1x128xi32>,
    %eq3A_228 = arith.constant 8.000000e+00 : f32
    %eq3A_229 = vector.broadcast %eq3A_228 : f32 to vector<8192x128xf32>
    %eq3A_230 = arith.cmpf oeq, %select_n3A, %eq3A_229 : vector<8192x128xf32>
    %jit3A_231 = arith.constant 1.000000e+00 : f32
    %jit3A_232 = arith.constant 0.000000e+00 : f32
    %broadcast_in_dim3A_233 = vector.broadcast %jit3A_231 : f32 to vector<8192x128xf32>
    %broadcast_in_dim3A_234 = vector.broadcast %jit3A_232 : f32 to vector<8192x128xf32>
    %select_n3A_235 = arith.select %eq3A_230, %broadcast_in_dim3A_233, %broadcast_in_dim3A_234 : vector<8192x128xi1>, vector<8192x128xf32>
    %dot_general3A_236 = arith.constant dense<0.000000e+00> : vector<1x128xf32>
    %dot_general3A_237 = tpu.matmul %convert_element_type3A_90, %select_n3A_235, %dot_general3A_236 {dimension_numbers = #tpu.dot_dimension_numbers<[1], [0], [0], [1], [0, 0, 1, 1], [], []>, transpose_lhs_hint = false} : vector<1x8192xf32>, vector<8192x128xf32>, vector<1x128xf32> -> vector<1x128xf32>
    %gt3A_238 = arith.constant 7.000000e+00 : f32
    %gt3A_239 = vector.broadcast %gt3A_238 : f32 to vector<1x128xf32>
    %gt3A_240 = arith.cmpf ogt, %slice3A_88, %gt3A_239 : vector<1x128xf32>
    %select_n3A_241 = arith.select %gt3A_240, %dot_general3A_237, %dot_general3A_102 : vector<1x128xi1>, vector<1x128xf32>
    %add3A_242 = vector.broadcast %convert_element_type3A_93 : f32 to vector<1x128xf32>
    %add3A_243 = arith.addf %select_n3A_241, %add3A_242 : vector<1x128xf32>
    %convert_element_type3A_244 = arith.fptosi %add3A_243 : vector<1x128xf32> to vector<1x128xi32>
    %swap3A_245 = arith.constant 7 : index
    %swap3A_246 = arith.constant 0 : index
    %swap3A_247 = vector.load %arg4[%swap3A_245, %swap3A_246] : memref<32x128xi32, #tpu.memory_space<vmem>>, vector<1x128xi32>
    tpu.vector_store %arg4[%swap3A_245, %swap3A_246], %convert_element_type3A_244 {strides = array<i32>} : memref<32x128xi32, #tpu.memory_space<vmem>>, vector<1x128xi32>,
    %eq3A_248 = arith.constant 9.000000e+00 : f32
    %eq3A_249 = vector.broadcast %eq3A_248 : f32 to vector<8192x128xf32>
    %eq3A_250 = arith.cmpf oeq, %select_n3A, %eq3A_249 : vector<8192x128xf32>
    %jit3A_251 = arith.constant 1.000000e+00 : f32
    %jit3A_252 = arith.constant 0.000000e+00 : f32
    %broadcast_in_dim3A_253 = vector.broadcast %jit3A_251 : f32 to vector<8192x128xf32>
    %broadcast_in_dim3A_254 = vector.broadcast %jit3A_252 : f32 to vector<8192x128xf32>
    %select_n3A_255 = arith.select %eq3A_250, %broadcast_in_dim3A_253, %broadcast_in_dim3A_254 : vector<8192x128xi1>, vector<8192x128xf32>
    %dot_general3A_256 = arith.constant dense<0.000000e+00> : vector<1x128xf32>
    %dot_general3A_257 = tpu.matmul %convert_element_type3A_90, %select_n3A_255, %dot_general3A_256 {dimension_numbers = #tpu.dot_dimension_numbers<[1], [0], [0], [1], [0, 0, 1, 1], [], []>, transpose_lhs_hint = false} : vector<1x8192xf32>, vector<8192x128xf32>, vector<1x128xf32> -> vector<1x128xf32>
    %gt3A_258 = arith.constant 8.000000e+00 : f32
    %gt3A_259 = vector.broadcast %gt3A_258 : f32 to vector<1x128xf32>
    %gt3A_260 = arith.cmpf ogt, %slice3A_88, %gt3A_259 : vector<1x128xf32>
    %select_n3A_261 = arith.select %gt3A_260, %dot_general3A_257, %dot_general3A_102 : vector<1x128xi1>, vector<1x128xf32>
    %add3A_262 = vector.broadcast %convert_element_type3A_93 : f32 to vector<1x128xf32>
    %add3A_263 = arith.addf %select_n3A_261, %add3A_262 : vector<1x128xf32>
    %convert_element_type3A_264 = arith.fptosi %add3A_263 : vector<1x128xf32> to vector<1x128xi32>
    %swap3A_265 = arith.constant 8 : index
    %swap3A_266 = arith.constant 0 : index
    %swap3A_267 = vector.load %arg4[%swap3A_265, %swap3A_266] : memref<32x128xi32, #tpu.memory_space<vmem>>, vector<1x128xi32>
    tpu.vector_store %arg4[%swap3A_265, %swap3A_266], %convert_element_type3A_264 {strides = array<i32>} : memref<32x128xi32, #tpu.memory_space<vmem>>, vector<1x128xi32>,
    %eq3A_268 = arith.constant 1.000000e+01 : f32
    %eq3A_269 = vector.broadcast %eq3A_268 : f32 to vector<8192x128xf32>
    %eq3A_270 = arith.cmpf oeq, %select_n3A, %eq3A_269 : vector<8192x128xf32>
    %jit3A_271 = arith.constant 1.000000e+00 : f32
    %jit3A_272 = arith.constant 0.000000e+00 : f32
    %broadcast_in_dim3A_273 = vector.broadcast %jit3A_271 : f32 to vector<8192x128xf32>
    %broadcast_in_dim3A_274 = vector.broadcast %jit3A_272 : f32 to vector<8192x128xf32>
    %select_n3A_275 = arith.select %eq3A_270, %broadcast_in_dim3A_273, %broadcast_in_dim3A_274 : vector<8192x128xi1>, vector<8192x128xf32>
    %dot_general3A_276 = arith.constant dense<0.000000e+00> : vector<1x128xf32>
    %dot_general3A_277 = tpu.matmul %convert_element_type3A_90, %select_n3A_275, %dot_general3A_276 {dimension_numbers = #tpu.dot_dimension_numbers<[1], [0], [0], [1], [0, 0, 1, 1], [], []>, transpose_lhs_hint = false} : vector<1x8192xf32>, vector<8192x128xf32>, vector<1x128xf32> -> vector<1x128xf32>
    %gt3A_278 = arith.constant 9.000000e+00 : f32
    %gt3A_279 = vector.broadcast %gt3A_278 : f32 to vector<1x128xf32>
    %gt3A_280 = arith.cmpf ogt, %slice3A_88, %gt3A_279 : vector<1x128xf32>
    %select_n3A_281 = arith.select %gt3A_280, %dot_general3A_277, %dot_general3A_102 : vector<1x128xi1>, vector<1x128xf32>
    %add3A_282 = vector.broadcast %convert_element_type3A_93 : f32 to vector<1x128xf32>
    %add3A_283 = arith.addf %select_n3A_281, %add3A_282 : vector<1x128xf32>
    %convert_element_type3A_284 = arith.fptosi %add3A_283 : vector<1x128xf32> to vector<1x128xi32>
    %swap3A_285 = arith.constant 9 : index
    %swap3A_286 = arith.constant 0 : index
    %swap3A_287 = vector.load %arg4[%swap3A_285, %swap3A_286] : memref<32x128xi32, #tpu.memory_space<vmem>>, vector<1x128xi32>
    tpu.vector_store %arg4[%swap3A_285, %swap3A_286], %convert_element_type3A_284 {strides = array<i32>} : memref<32x128xi32, #tpu.memory_space<vmem>>, vector<1x128xi32>,
    %eq3A_288 = arith.constant 1.100000e+01 : f32
    %eq3A_289 = vector.broadcast %eq3A_288 : f32 to vector<8192x128xf32>
    %eq3A_290 = arith.cmpf oeq, %select_n3A, %eq3A_289 : vector<8192x128xf32>
    %jit3A_291 = arith.constant 1.000000e+00 : f32
    %jit3A_292 = arith.constant 0.000000e+00 : f32
    %broadcast_in_dim3A_293 = vector.broadcast %jit3A_291 : f32 to vector<8192x128xf32>
    %broadcast_in_dim3A_294 = vector.broadcast %jit3A_292 : f32 to vector<8192x128xf32>
    %select_n3A_295 = arith.select %eq3A_290, %broadcast_in_dim3A_293, %broadcast_in_dim3A_294 : vector<8192x128xi1>, vector<8192x128xf32>
    %dot_general3A_296 = arith.constant dense<0.000000e+00> : vector<1x128xf32>
    %dot_general3A_297 = tpu.matmul %convert_element_type3A_90, %select_n3A_295, %dot_general3A_296 {dimension_numbers = #tpu.dot_dimension_numbers<[1], [0], [0], [1], [0, 0, 1, 1], [], []>, transpose_lhs_hint = false} : vector<1x8192xf32>, vector<8192x128xf32>, vector<1x128xf32> -> vector<1x128xf32>
    %gt3A_298 = arith.constant 1.000000e+01 : f32
    %gt3A_299 = vector.broadcast %gt3A_298 : f32 to vector<1x128xf32>
    %gt3A_300 = arith.cmpf ogt, %slice3A_88, %gt3A_299 : vector<1x128xf32>
    %select_n3A_301 = arith.select %gt3A_300, %dot_general3A_297, %dot_general3A_102 : vector<1x128xi1>, vector<1x128xf32>
    %add3A_302 = vector.broadcast %convert_element_type3A_93 : f32 to vector<1x128xf32>
    %add3A_303 = arith.addf %select_n3A_301, %add3A_302 : vector<1x128xf32>
    %convert_element_type3A_304 = arith.fptosi %add3A_303 : vector<1x128xf32> to vector<1x128xi32>
    %swap3A_305 = arith.constant 10 : index
    %swap3A_306 = arith.constant 0 : index
    %swap3A_307 = vector.load %arg4[%swap3A_305, %swap3A_306] : memref<32x128xi32, #tpu.memory_space<vmem>>, vector<1x128xi32>
    tpu.vector_store %arg4[%swap3A_305, %swap3A_306], %convert_element_type3A_304 {strides = array<i32>} : memref<32x128xi32, #tpu.memory_space<vmem>>, vector<1x128xi32>,
    %eq3A_308 = arith.constant 1.200000e+01 : f32
    %eq3A_309 = vector.broadcast %eq3A_308 : f32 to vector<8192x128xf32>
    %eq3A_310 = arith.cmpf oeq, %select_n3A, %eq3A_309 : vector<8192x128xf32>
    %jit3A_311 = arith.constant 1.000000e+00 : f32
    %jit3A_312 = arith.constant 0.000000e+00 : f32
    %broadcast_in_dim3A_313 = vector.broadcast %jit3A_311 : f32 to vector<8192x128xf32>
    %broadcast_in_dim3A_314 = vector.broadcast %jit3A_312 : f32 to vector<8192x128xf32>
    %select_n3A_315 = arith.select %eq3A_310, %broadcast_in_dim3A_313, %broadcast_in_dim3A_314 : vector<8192x128xi1>, vector<8192x128xf32>
    %dot_general3A_316 = arith.constant dense<0.000000e+00> : vector<1x128xf32>
    %dot_general3A_317 = tpu.matmul %convert_element_type3A_90, %select_n3A_315, %dot_general3A_316 {dimension_numbers = #tpu.dot_dimension_numbers<[1], [0], [0], [1], [0, 0, 1, 1], [], []>, transpose_lhs_hint = false} : vector<1x8192xf32>, vector<8192x128xf32>, vector<1x128xf32> -> vector<1x128xf32>
    %gt3A_318 = arith.constant 1.100000e+01 : f32
    %gt3A_319 = vector.broadcast %gt3A_318 : f32 to vector<1x128xf32>
    %gt3A_320 = arith.cmpf ogt, %slice3A_88, %gt3A_319 : vector<1x128xf32>
    %select_n3A_321 = arith.select %gt3A_320, %dot_general3A_317, %dot_general3A_102 : vector<1x128xi1>, vector<1x128xf32>
    %add3A_322 = vector.broadcast %convert_element_type3A_93 : f32 to vector<1x128xf32>
    %add3A_323 = arith.addf %select_n3A_321, %add3A_322 : vector<1x128xf32>
    %convert_element_type3A_324 = arith.fptosi %add3A_323 : vector<1x128xf32> to vector<1x128xi32>
    %swap3A_325 = arith.constant 11 : index
    %swap3A_326 = arith.constant 0 : index
    %swap3A_327 = vector.load %arg4[%swap3A_325, %swap3A_326] : memref<32x128xi32, #tpu.memory_space<vmem>>, vector<1x128xi32>
    tpu.vector_store %arg4[%swap3A_325, %swap3A_326], %convert_element_type3A_324 {strides = array<i32>} : memref<32x128xi32, #tpu.memory_space<vmem>>, vector<1x128xi32>,
    %eq3A_328 = arith.constant 1.300000e+01 : f32
    %eq3A_329 = vector.broadcast %eq3A_328 : f32 to vector<8192x128xf32>
    %eq3A_330 = arith.cmpf oeq, %select_n3A, %eq3A_329 : vector<8192x128xf32>
    %jit3A_331 = arith.constant 1.000000e+00 : f32
    %jit3A_332 = arith.constant 0.000000e+00 : f32
    %broadcast_in_dim3A_333 = vector.broadcast %jit3A_331 : f32 to vector<8192x128xf32>
    %broadcast_in_dim3A_334 = vector.broadcast %jit3A_332 : f32 to vector<8192x128xf32>
    %select_n3A_335 = arith.select %eq3A_330, %broadcast_in_dim3A_333, %broadcast_in_dim3A_334 : vector<8192x128xi1>, vector<8192x128xf32>
    %dot_general3A_336 = arith.constant dense<0.000000e+00> : vector<1x128xf32>
    %dot_general3A_337 = tpu.matmul %convert_element_type3A_90, %select_n3A_335, %dot_general3A_336 {dimension_numbers = #tpu.dot_dimension_numbers<[1], [0], [0], [1], [0, 0, 1, 1], [], []>, transpose_lhs_hint = false} : vector<1x8192xf32>, vector<8192x128xf32>, vector<1x128xf32> -> vector<1x128xf32>
    %gt3A_338 = arith.constant 1.200000e+01 : f32
    %gt3A_339 = vector.broadcast %gt3A_338 : f32 to vector<1x128xf32>
    %gt3A_340 = arith.cmpf ogt, %slice3A_88, %gt3A_339 : vector<1x128xf32>
    %select_n3A_341 = arith.select %gt3A_340, %dot_general3A_337, %dot_general3A_102 : vector<1x128xi1>, vector<1x128xf32>
    %add3A_342 = vector.broadcast %convert_element_type3A_93 : f32 to vector<1x128xf32>
    %add3A_343 = arith.addf %select_n3A_341, %add3A_342 : vector<1x128xf32>
    %convert_element_type3A_344 = arith.fptosi %add3A_343 : vector<1x128xf32> to vector<1x128xi32>
    %swap3A_345 = arith.constant 12 : index
    %swap3A_346 = arith.constant 0 : index
    %swap3A_347 = vector.load %arg4[%swap3A_345, %swap3A_346] : memref<32x128xi32, #tpu.memory_space<vmem>>, vector<1x128xi32>
    tpu.vector_store %arg4[%swap3A_345, %swap3A_346], %convert_element_type3A_344 {strides = array<i32>} : memref<32x128xi32, #tpu.memory_space<vmem>>, vector<1x128xi32>,
    %eq3A_348 = arith.constant 1.400000e+01 : f32
    %eq3A_349 = vector.broadcast %eq3A_348 : f32 to vector<8192x128xf32>
    %eq3A_350 = arith.cmpf oeq, %select_n3A, %eq3A_349 : vector<8192x128xf32>
    %jit3A_351 = arith.constant 1.000000e+00 : f32
    %jit3A_352 = arith.constant 0.000000e+00 : f32
    %broadcast_in_dim3A_353 = vector.broadcast %jit3A_351 : f32 to vector<8192x128xf32>
    %broadcast_in_dim3A_354 = vector.broadcast %jit3A_352 : f32 to vector<8192x128xf32>
    %select_n3A_355 = arith.select %eq3A_350, %broadcast_in_dim3A_353, %broadcast_in_dim3A_354 : vector<8192x128xi1>, vector<8192x128xf32>
    %dot_general3A_356 = arith.constant dense<0.000000e+00> : vector<1x128xf32>
    %dot_general3A_357 = tpu.matmul %convert_element_type3A_90, %select_n3A_355, %dot_general3A_356 {dimension_numbers = #tpu.dot_dimension_numbers<[1], [0], [0], [1], [0, 0, 1, 1], [], []>, transpose_lhs_hint = false} : vector<1x8192xf32>, vector<8192x128xf32>, vector<1x128xf32> -> vector<1x128xf32>
    %gt3A_358 = arith.constant 1.300000e+01 : f32
    %gt3A_359 = vector.broadcast %gt3A_358 : f32 to vector<1x128xf32>
    %gt3A_360 = arith.cmpf ogt, %slice3A_88, %gt3A_359 : vector<1x128xf32>
    %select_n3A_361 = arith.select %gt3A_360, %dot_general3A_357, %dot_general3A_102 : vector<1x128xi1>, vector<1x128xf32>
    %add3A_362 = vector.broadcast %convert_element_type3A_93 : f32 to vector<1x128xf32>
    %add3A_363 = arith.addf %select_n3A_361, %add3A_362 : vector<1x128xf32>
    %convert_element_type3A_364 = arith.fptosi %add3A_363 : vector<1x128xf32> to vector<1x128xi32>
    %swap3A_365 = arith.constant 13 : index
    %swap3A_366 = arith.constant 0 : index
    %swap3A_367 = vector.load %arg4[%swap3A_365, %swap3A_366] : memref<32x128xi32, #tpu.memory_space<vmem>>, vector<1x128xi32>
    tpu.vector_store %arg4[%swap3A_365, %swap3A_366], %convert_element_type3A_364 {strides = array<i32>} : memref<32x128xi32, #tpu.memory_space<vmem>>, vector<1x128xi32>,
    %eq3A_368 = arith.constant 1.500000e+01 : f32
    %eq3A_369 = vector.broadcast %eq3A_368 : f32 to vector<8192x128xf32>
    %eq3A_370 = arith.cmpf oeq, %select_n3A, %eq3A_369 : vector<8192x128xf32>
    %jit3A_371 = arith.constant 1.000000e+00 : f32
    %jit3A_372 = arith.constant 0.000000e+00 : f32
    %broadcast_in_dim3A_373 = vector.broadcast %jit3A_371 : f32 to vector<8192x128xf32>
    %broadcast_in_dim3A_374 = vector.broadcast %jit3A_372 : f32 to vector<8192x128xf32>
    %select_n3A_375 = arith.select %eq3A_370, %broadcast_in_dim3A_373, %broadcast_in_dim3A_374 : vector<8192x128xi1>, vector<8192x128xf32>
    %dot_general3A_376 = arith.constant dense<0.000000e+00> : vector<1x128xf32>
    %dot_general3A_377 = tpu.matmul %convert_element_type3A_90, %select_n3A_375, %dot_general3A_376 {dimension_numbers = #tpu.dot_dimension_numbers<[1], [0], [0], [1], [0, 0, 1, 1], [], []>, transpose_lhs_hint = false} : vector<1x8192xf32>, vector<8192x128xf32>, vector<1x128xf32> -> vector<1x128xf32>
    %gt3A_378 = arith.constant 1.400000e+01 : f32
    %gt3A_379 = vector.broadcast %gt3A_378 : f32 to vector<1x128xf32>
    %gt3A_380 = arith.cmpf ogt, %slice3A_88, %gt3A_379 : vector<1x128xf32>
    %select_n3A_381 = arith.select %gt3A_380, %dot_general3A_377, %dot_general3A_102 : vector<1x128xi1>, vector<1x128xf32>
    %add3A_382 = vector.broadcast %convert_element_type3A_93 : f32 to vector<1x128xf32>
    %add3A_383 = arith.addf %select_n3A_381, %add3A_382 : vector<1x128xf32>
    %convert_element_type3A_384 = arith.fptosi %add3A_383 : vector<1x128xf32> to vector<1x128xi32>
    %swap3A_385 = arith.constant 14 : index
    %swap3A_386 = arith.constant 0 : index
    %swap3A_387 = vector.load %arg4[%swap3A_385, %swap3A_386] : memref<32x128xi32, #tpu.memory_space<vmem>>, vector<1x128xi32>
    tpu.vector_store %arg4[%swap3A_385, %swap3A_386], %convert_element_type3A_384 {strides = array<i32>} : memref<32x128xi32, #tpu.memory_space<vmem>>, vector<1x128xi32>,
    %eq3A_388 = arith.constant 1.600000e+01 : f32
    %eq3A_389 = vector.broadcast %eq3A_388 : f32 to vector<8192x128xf32>
    %eq3A_390 = arith.cmpf oeq, %select_n3A, %eq3A_389 : vector<8192x128xf32>
    %jit3A_391 = arith.constant 1.000000e+00 : f32
    %jit3A_392 = arith.constant 0.000000e+00 : f32
    %broadcast_in_dim3A_393 = vector.broadcast %jit3A_391 : f32 to vector<8192x128xf32>
    %broadcast_in_dim3A_394 = vector.broadcast %jit3A_392 : f32 to vector<8192x128xf32>
    %select_n3A_395 = arith.select %eq3A_390, %broadcast_in_dim3A_393, %broadcast_in_dim3A_394 : vector<8192x128xi1>, vector<8192x128xf32>
    %dot_general3A_396 = arith.constant dense<0.000000e+00> : vector<1x128xf32>
    %dot_general3A_397 = tpu.matmul %convert_element_type3A_90, %select_n3A_395, %dot_general3A_396 {dimension_numbers = #tpu.dot_dimension_numbers<[1], [0], [0], [1], [0, 0, 1, 1], [], []>, transpose_lhs_hint = false} : vector<1x8192xf32>, vector<8192x128xf32>, vector<1x128xf32> -> vector<1x128xf32>
    %gt3A_398 = arith.constant 1.500000e+01 : f32
    %gt3A_399 = vector.broadcast %gt3A_398 : f32 to vector<1x128xf32>
    %gt3A_400 = arith.cmpf ogt, %slice3A_88, %gt3A_399 : vector<1x128xf32>
    %select_n3A_401 = arith.select %gt3A_400, %dot_general3A_397, %dot_general3A_102 : vector<1x128xi1>, vector<1x128xf32>
    %add3A_402 = vector.broadcast %convert_element_type3A_93 : f32 to vector<1x128xf32>
    %add3A_403 = arith.addf %select_n3A_401, %add3A_402 : vector<1x128xf32>
    %convert_element_type3A_404 = arith.fptosi %add3A_403 : vector<1x128xf32> to vector<1x128xi32>
    %swap3A_405 = arith.constant 15 : index
    %swap3A_406 = arith.constant 0 : index
    %swap3A_407 = vector.load %arg4[%swap3A_405, %swap3A_406] : memref<32x128xi32, #tpu.memory_space<vmem>>, vector<1x128xi32>
    tpu.vector_store %arg4[%swap3A_405, %swap3A_406], %convert_element_type3A_404 {strides = array<i32>} : memref<32x128xi32, #tpu.memory_space<vmem>>, vector<1x128xi32>,
    %eq3A_408 = arith.constant 1.700000e+01 : f32
    %eq3A_409 = vector.broadcast %eq3A_408 : f32 to vector<8192x128xf32>
    %eq3A_410 = arith.cmpf oeq, %select_n3A, %eq3A_409 : vector<8192x128xf32>
    %jit3A_411 = arith.constant 1.000000e+00 : f32
    %jit3A_412 = arith.constant 0.000000e+00 : f32
    %broadcast_in_dim3A_413 = vector.broadcast %jit3A_411 : f32 to vector<8192x128xf32>
    %broadcast_in_dim3A_414 = vector.broadcast %jit3A_412 : f32 to vector<8192x128xf32>
    %select_n3A_415 = arith.select %eq3A_410, %broadcast_in_dim3A_413, %broadcast_in_dim3A_414 : vector<8192x128xi1>, vector<8192x128xf32>
    %dot_general3A_416 = arith.constant dense<0.000000e+00> : vector<1x128xf32>
    %dot_general3A_417 = tpu.matmul %convert_element_type3A_90, %select_n3A_415, %dot_general3A_416 {dimension_numbers = #tpu.dot_dimension_numbers<[1], [0], [0], [1], [0, 0, 1, 1], [], []>, transpose_lhs_hint = false} : vector<1x8192xf32>, vector<8192x128xf32>, vector<1x128xf32> -> vector<1x128xf32>
    %gt3A_418 = arith.constant 1.600000e+01 : f32
    %gt3A_419 = vector.broadcast %gt3A_418 : f32 to vector<1x128xf32>
    %gt3A_420 = arith.cmpf ogt, %slice3A_88, %gt3A_419 : vector<1x128xf32>
    %select_n3A_421 = arith.select %gt3A_420, %dot_general3A_417, %dot_general3A_102 : vector<1x128xi1>, vector<1x128xf32>
    %add3A_422 = vector.broadcast %convert_element_type3A_93 : f32 to vector<1x128xf32>
    %add3A_423 = arith.addf %select_n3A_421, %add3A_422 : vector<1x128xf32>
    %convert_element_type3A_424 = arith.fptosi %add3A_423 : vector<1x128xf32> to vector<1x128xi32>
    %swap3A_425 = arith.constant 16 : index
    %swap3A_426 = arith.constant 0 : index
    %swap3A_427 = vector.load %arg4[%swap3A_425, %swap3A_426] : memref<32x128xi32, #tpu.memory_space<vmem>>, vector<1x128xi32>
    tpu.vector_store %arg4[%swap3A_425, %swap3A_426], %convert_element_type3A_424 {strides = array<i32>} : memref<32x128xi32, #tpu.memory_space<vmem>>, vector<1x128xi32>,
    %eq3A_428 = arith.constant 1.800000e+01 : f32
    %eq3A_429 = vector.broadcast %eq3A_428 : f32 to vector<8192x128xf32>
    %eq3A_430 = arith.cmpf oeq, %select_n3A, %eq3A_429 : vector<8192x128xf32>
    %jit3A_431 = arith.constant 1.000000e+00 : f32
    %jit3A_432 = arith.constant 0.000000e+00 : f32
    %broadcast_in_dim3A_433 = vector.broadcast %jit3A_431 : f32 to vector<8192x128xf32>
    %broadcast_in_dim3A_434 = vector.broadcast %jit3A_432 : f32 to vector<8192x128xf32>
    %select_n3A_435 = arith.select %eq3A_430, %broadcast_in_dim3A_433, %broadcast_in_dim3A_434 : vector<8192x128xi1>, vector<8192x128xf32>
    %dot_general3A_436 = arith.constant dense<0.000000e+00> : vector<1x128xf32>
    %dot_general3A_437 = tpu.matmul %convert_element_type3A_90, %select_n3A_435, %dot_general3A_436 {dimension_numbers = #tpu.dot_dimension_numbers<[1], [0], [0], [1], [0, 0, 1, 1], [], []>, transpose_lhs_hint = false} : vector<1x8192xf32>, vector<8192x128xf32>, vector<1x128xf32> -> vector<1x128xf32>
    %gt3A_438 = arith.constant 1.700000e+01 : f32
    %gt3A_439 = vector.broadcast %gt3A_438 : f32 to vector<1x128xf32>
    %gt3A_440 = arith.cmpf ogt, %slice3A_88, %gt3A_439 : vector<1x128xf32>
    %select_n3A_441 = arith.select %gt3A_440, %dot_general3A_437, %dot_general3A_102 : vector<1x128xi1>, vector<1x128xf32>
    %add3A_442 = vector.broadcast %convert_element_type3A_93 : f32 to vector<1x128xf32>
    %add3A_443 = arith.addf %select_n3A_441, %add3A_442 : vector<1x128xf32>
    %convert_element_type3A_444 = arith.fptosi %add3A_443 : vector<1x128xf32> to vector<1x128xi32>
    %swap3A_445 = arith.constant 17 : index
    %swap3A_446 = arith.constant 0 : index
    %swap3A_447 = vector.load %arg4[%swap3A_445, %swap3A_446] : memref<32x128xi32, #tpu.memory_space<vmem>>, vector<1x128xi32>
    tpu.vector_store %arg4[%swap3A_445, %swap3A_446], %convert_element_type3A_444 {strides = array<i32>} : memref<32x128xi32, #tpu.memory_space<vmem>>, vector<1x128xi32>,
    %eq3A_448 = arith.constant 1.900000e+01 : f32
    %eq3A_449 = vector.broadcast %eq3A_448 : f32 to vector<8192x128xf32>
    %eq3A_450 = arith.cmpf oeq, %select_n3A, %eq3A_449 : vector<8192x128xf32>
    %jit3A_451 = arith.constant 1.000000e+00 : f32
    %jit3A_452 = arith.constant 0.000000e+00 : f32
    %broadcast_in_dim3A_453 = vector.broadcast %jit3A_451 : f32 to vector<8192x128xf32>
    %broadcast_in_dim3A_454 = vector.broadcast %jit3A_452 : f32 to vector<8192x128xf32>
    %select_n3A_455 = arith.select %eq3A_450, %broadcast_in_dim3A_453, %broadcast_in_dim3A_454 : vector<8192x128xi1>, vector<8192x128xf32>
    %dot_general3A_456 = arith.constant dense<0.000000e+00> : vector<1x128xf32>
    %dot_general3A_457 = tpu.matmul %convert_element_type3A_90, %select_n3A_455, %dot_general3A_456 {dimension_numbers = #tpu.dot_dimension_numbers<[1], [0], [0], [1], [0, 0, 1, 1], [], []>, transpose_lhs_hint = false} : vector<1x8192xf32>, vector<8192x128xf32>, vector<1x128xf32> -> vector<1x128xf32>
    %gt3A_458 = arith.constant 1.800000e+01 : f32
    %gt3A_459 = vector.broadcast %gt3A_458 : f32 to vector<1x128xf32>
    %gt3A_460 = arith.cmpf ogt, %slice3A_88, %gt3A_459 : vector<1x128xf32>
    %select_n3A_461 = arith.select %gt3A_460, %dot_general3A_457, %dot_general3A_102 : vector<1x128xi1>, vector<1x128xf32>
    %add3A_462 = vector.broadcast %convert_element_type3A_93 : f32 to vector<1x128xf32>
    %add3A_463 = arith.addf %select_n3A_461, %add3A_462 : vector<1x128xf32>
    %convert_element_type3A_464 = arith.fptosi %add3A_463 : vector<1x128xf32> to vector<1x128xi32>
    %swap3A_465 = arith.constant 18 : index
    %swap3A_466 = arith.constant 0 : index
    %swap3A_467 = vector.load %arg4[%swap3A_465, %swap3A_466] : memref<32x128xi32, #tpu.memory_space<vmem>>, vector<1x128xi32>
    tpu.vector_store %arg4[%swap3A_465, %swap3A_466], %convert_element_type3A_464 {strides = array<i32>} : memref<32x128xi32, #tpu.memory_space<vmem>>, vector<1x128xi32>,
    %eq3A_468 = arith.constant 2.000000e+01 : f32
    %eq3A_469 = vector.broadcast %eq3A_468 : f32 to vector<8192x128xf32>
    %eq3A_470 = arith.cmpf oeq, %select_n3A, %eq3A_469 : vector<8192x128xf32>
    %jit3A_471 = arith.constant 1.000000e+00 : f32
    %jit3A_472 = arith.constant 0.000000e+00 : f32
    %broadcast_in_dim3A_473 = vector.broadcast %jit3A_471 : f32 to vector<8192x128xf32>
    %broadcast_in_dim3A_474 = vector.broadcast %jit3A_472 : f32 to vector<8192x128xf32>
    %select_n3A_475 = arith.select %eq3A_470, %broadcast_in_dim3A_473, %broadcast_in_dim3A_474 : vector<8192x128xi1>, vector<8192x128xf32>
    %dot_general3A_476 = arith.constant dense<0.000000e+00> : vector<1x128xf32>
    %dot_general3A_477 = tpu.matmul %convert_element_type3A_90, %select_n3A_475, %dot_general3A_476 {dimension_numbers = #tpu.dot_dimension_numbers<[1], [0], [0], [1], [0, 0, 1, 1], [], []>, transpose_lhs_hint = false} : vector<1x8192xf32>, vector<8192x128xf32>, vector<1x128xf32> -> vector<1x128xf32>
    %gt3A_478 = arith.constant 1.900000e+01 : f32
    %gt3A_479 = vector.broadcast %gt3A_478 : f32 to vector<1x128xf32>
    %gt3A_480 = arith.cmpf ogt, %slice3A_88, %gt3A_479 : vector<1x128xf32>
    %select_n3A_481 = arith.select %gt3A_480, %dot_general3A_477, %dot_general3A_102 : vector<1x128xi1>, vector<1x128xf32>
    %add3A_482 = vector.broadcast %convert_element_type3A_93 : f32 to vector<1x128xf32>
    %add3A_483 = arith.addf %select_n3A_481, %add3A_482 : vector<1x128xf32>
    %convert_element_type3A_484 = arith.fptosi %add3A_483 : vector<1x128xf32> to vector<1x128xi32>
    %swap3A_485 = arith.constant 19 : index
    %swap3A_486 = arith.constant 0 : index
    %swap3A_487 = vector.load %arg4[%swap3A_485, %swap3A_486] : memref<32x128xi32, #tpu.memory_space<vmem>>, vector<1x128xi32>
    tpu.vector_store %arg4[%swap3A_485, %swap3A_486], %convert_element_type3A_484 {strides = array<i32>} : memref<32x128xi32, #tpu.memory_space<vmem>>, vector<1x128xi32>,
    %eq3A_488 = arith.constant 2.100000e+01 : f32
    %eq3A_489 = vector.broadcast %eq3A_488 : f32 to vector<8192x128xf32>
    %eq3A_490 = arith.cmpf oeq, %select_n3A, %eq3A_489 : vector<8192x128xf32>
    %jit3A_491 = arith.constant 1.000000e+00 : f32
    %jit3A_492 = arith.constant 0.000000e+00 : f32
    %broadcast_in_dim3A_493 = vector.broadcast %jit3A_491 : f32 to vector<8192x128xf32>
    %broadcast_in_dim3A_494 = vector.broadcast %jit3A_492 : f32 to vector<8192x128xf32>
    %select_n3A_495 = arith.select %eq3A_490, %broadcast_in_dim3A_493, %broadcast_in_dim3A_494 : vector<8192x128xi1>, vector<8192x128xf32>
    %dot_general3A_496 = arith.constant dense<0.000000e+00> : vector<1x128xf32>
    %dot_general3A_497 = tpu.matmul %convert_element_type3A_90, %select_n3A_495, %dot_general3A_496 {dimension_numbers = #tpu.dot_dimension_numbers<[1], [0], [0], [1], [0, 0, 1, 1], [], []>, transpose_lhs_hint = false} : vector<1x8192xf32>, vector<8192x128xf32>, vector<1x128xf32> -> vector<1x128xf32>
    %gt3A_498 = arith.constant 2.000000e+01 : f32
    %gt3A_499 = vector.broadcast %gt3A_498 : f32 to vector<1x128xf32>
    %gt3A_500 = arith.cmpf ogt, %slice3A_88, %gt3A_499 : vector<1x128xf32>
    %select_n3A_501 = arith.select %gt3A_500, %dot_general3A_497, %dot_general3A_102 : vector<1x128xi1>, vector<1x128xf32>
    %add3A_502 = vector.broadcast %convert_element_type3A_93 : f32 to vector<1x128xf32>
    %add3A_503 = arith.addf %select_n3A_501, %add3A_502 : vector<1x128xf32>
    %convert_element_type3A_504 = arith.fptosi %add3A_503 : vector<1x128xf32> to vector<1x128xi32>
    %swap3A_505 = arith.constant 20 : index
    %swap3A_506 = arith.constant 0 : index
    %swap3A_507 = vector.load %arg4[%swap3A_505, %swap3A_506] : memref<32x128xi32, #tpu.memory_space<vmem>>, vector<1x128xi32>
    tpu.vector_store %arg4[%swap3A_505, %swap3A_506], %convert_element_type3A_504 {strides = array<i32>} : memref<32x128xi32, #tpu.memory_space<vmem>>, vector<1x128xi32>,
    %eq3A_508 = arith.constant 2.200000e+01 : f32
    %eq3A_509 = vector.broadcast %eq3A_508 : f32 to vector<8192x128xf32>
    %eq3A_510 = arith.cmpf oeq, %select_n3A, %eq3A_509 : vector<8192x128xf32>
    %jit3A_511 = arith.constant 1.000000e+00 : f32
    %jit3A_512 = arith.constant 0.000000e+00 : f32
    %broadcast_in_dim3A_513 = vector.broadcast %jit3A_511 : f32 to vector<8192x128xf32>
    %broadcast_in_dim3A_514 = vector.broadcast %jit3A_512 : f32 to vector<8192x128xf32>
    %select_n3A_515 = arith.select %eq3A_510, %broadcast_in_dim3A_513, %broadcast_in_dim3A_514 : vector<8192x128xi1>, vector<8192x128xf32>
    %dot_general3A_516 = arith.constant dense<0.000000e+00> : vector<1x128xf32>
    %dot_general3A_517 = tpu.matmul %convert_element_type3A_90, %select_n3A_515, %dot_general3A_516 {dimension_numbers = #tpu.dot_dimension_numbers<[1], [0], [0], [1], [0, 0, 1, 1], [], []>, transpose_lhs_hint = false} : vector<1x8192xf32>, vector<8192x128xf32>, vector<1x128xf32> -> vector<1x128xf32>
    %gt3A_518 = arith.constant 2.100000e+01 : f32
    %gt3A_519 = vector.broadcast %gt3A_518 : f32 to vector<1x128xf32>
    %gt3A_520 = arith.cmpf ogt, %slice3A_88, %gt3A_519 : vector<1x128xf32>
    %select_n3A_521 = arith.select %gt3A_520, %dot_general3A_517, %dot_general3A_102 : vector<1x128xi1>, vector<1x128xf32>
    %add3A_522 = vector.broadcast %convert_element_type3A_93 : f32 to vector<1x128xf32>
    %add3A_523 = arith.addf %select_n3A_521, %add3A_522 : vector<1x128xf32>
    %convert_element_type3A_524 = arith.fptosi %add3A_523 : vector<1x128xf32> to vector<1x128xi32>
    %swap3A_525 = arith.constant 21 : index
    %swap3A_526 = arith.constant 0 : index
    %swap3A_527 = vector.load %arg4[%swap3A_525, %swap3A_526] : memref<32x128xi32, #tpu.memory_space<vmem>>, vector<1x128xi32>
    tpu.vector_store %arg4[%swap3A_525, %swap3A_526], %convert_element_type3A_524 {strides = array<i32>} : memref<32x128xi32, #tpu.memory_space<vmem>>, vector<1x128xi32>,
    %eq3A_528 = arith.constant 2.300000e+01 : f32
    %eq3A_529 = vector.broadcast %eq3A_528 : f32 to vector<8192x128xf32>
    %eq3A_530 = arith.cmpf oeq, %select_n3A, %eq3A_529 : vector<8192x128xf32>
    %jit3A_531 = arith.constant 1.000000e+00 : f32
    %jit3A_532 = arith.constant 0.000000e+00 : f32
    %broadcast_in_dim3A_533 = vector.broadcast %jit3A_531 : f32 to vector<8192x128xf32>
    %broadcast_in_dim3A_534 = vector.broadcast %jit3A_532 : f32 to vector<8192x128xf32>
    %select_n3A_535 = arith.select %eq3A_530, %broadcast_in_dim3A_533, %broadcast_in_dim3A_534 : vector<8192x128xi1>, vector<8192x128xf32>
    %dot_general3A_536 = arith.constant dense<0.000000e+00> : vector<1x128xf32>
    %dot_general3A_537 = tpu.matmul %convert_element_type3A_90, %select_n3A_535, %dot_general3A_536 {dimension_numbers = #tpu.dot_dimension_numbers<[1], [0], [0], [1], [0, 0, 1, 1], [], []>, transpose_lhs_hint = false} : vector<1x8192xf32>, vector<8192x128xf32>, vector<1x128xf32> -> vector<1x128xf32>
    %gt3A_538 = arith.constant 2.200000e+01 : f32
    %gt3A_539 = vector.broadcast %gt3A_538 : f32 to vector<1x128xf32>
    %gt3A_540 = arith.cmpf ogt, %slice3A_88, %gt3A_539 : vector<1x128xf32>
    %select_n3A_541 = arith.select %gt3A_540, %dot_general3A_537, %dot_general3A_102 : vector<1x128xi1>, vector<1x128xf32>
    %add3A_542 = vector.broadcast %convert_element_type3A_93 : f32 to vector<1x128xf32>
    %add3A_543 = arith.addf %select_n3A_541, %add3A_542 : vector<1x128xf32>
    %convert_element_type3A_544 = arith.fptosi %add3A_543 : vector<1x128xf32> to vector<1x128xi32>
    %swap3A_545 = arith.constant 22 : index
    %swap3A_546 = arith.constant 0 : index
    %swap3A_547 = vector.load %arg4[%swap3A_545, %swap3A_546] : memref<32x128xi32, #tpu.memory_space<vmem>>, vector<1x128xi32>
    tpu.vector_store %arg4[%swap3A_545, %swap3A_546], %convert_element_type3A_544 {strides = array<i32>} : memref<32x128xi32, #tpu.memory_space<vmem>>, vector<1x128xi32>,
    %eq3A_548 = arith.constant 2.400000e+01 : f32
    %eq3A_549 = vector.broadcast %eq3A_548 : f32 to vector<8192x128xf32>
    %eq3A_550 = arith.cmpf oeq, %select_n3A, %eq3A_549 : vector<8192x128xf32>
    %jit3A_551 = arith.constant 1.000000e+00 : f32
    %jit3A_552 = arith.constant 0.000000e+00 : f32
    %broadcast_in_dim3A_553 = vector.broadcast %jit3A_551 : f32 to vector<8192x128xf32>
    %broadcast_in_dim3A_554 = vector.broadcast %jit3A_552 : f32 to vector<8192x128xf32>
    %select_n3A_555 = arith.select %eq3A_550, %broadcast_in_dim3A_553, %broadcast_in_dim3A_554 : vector<8192x128xi1>, vector<8192x128xf32>
    %dot_general3A_556 = arith.constant dense<0.000000e+00> : vector<1x128xf32>
    %dot_general3A_557 = tpu.matmul %convert_element_type3A_90, %select_n3A_555, %dot_general3A_556 {dimension_numbers = #tpu.dot_dimension_numbers<[1], [0], [0], [1], [0, 0, 1, 1], [], []>, transpose_lhs_hint = false} : vector<1x8192xf32>, vector<8192x128xf32>, vector<1x128xf32> -> vector<1x128xf32>
    %gt3A_558 = arith.constant 2.300000e+01 : f32
    %gt3A_559 = vector.broadcast %gt3A_558 : f32 to vector<1x128xf32>
    %gt3A_560 = arith.cmpf ogt, %slice3A_88, %gt3A_559 : vector<1x128xf32>
    %select_n3A_561 = arith.select %gt3A_560, %dot_general3A_557, %dot_general3A_102 : vector<1x128xi1>, vector<1x128xf32>
    %add3A_562 = vector.broadcast %convert_element_type3A_93 : f32 to vector<1x128xf32>
    %add3A_563 = arith.addf %select_n3A_561, %add3A_562 : vector<1x128xf32>
    %convert_element_type3A_564 = arith.fptosi %add3A_563 : vector<1x128xf32> to vector<1x128xi32>
    %swap3A_565 = arith.constant 23 : index
    %swap3A_566 = arith.constant 0 : index
    %swap3A_567 = vector.load %arg4[%swap3A_565, %swap3A_566] : memref<32x128xi32, #tpu.memory_space<vmem>>, vector<1x128xi32>
    tpu.vector_store %arg4[%swap3A_565, %swap3A_566], %convert_element_type3A_564 {strides = array<i32>} : memref<32x128xi32, #tpu.memory_space<vmem>>, vector<1x128xi32>,
    %eq3A_568 = arith.constant 2.500000e+01 : f32
    %eq3A_569 = vector.broadcast %eq3A_568 : f32 to vector<8192x128xf32>
    %eq3A_570 = arith.cmpf oeq, %select_n3A, %eq3A_569 : vector<8192x128xf32>
    %jit3A_571 = arith.constant 1.000000e+00 : f32
    %jit3A_572 = arith.constant 0.000000e+00 : f32
    %broadcast_in_dim3A_573 = vector.broadcast %jit3A_571 : f32 to vector<8192x128xf32>
    %broadcast_in_dim3A_574 = vector.broadcast %jit3A_572 : f32 to vector<8192x128xf32>
    %select_n3A_575 = arith.select %eq3A_570, %broadcast_in_dim3A_573, %broadcast_in_dim3A_574 : vector<8192x128xi1>, vector<8192x128xf32>
    %dot_general3A_576 = arith.constant dense<0.000000e+00> : vector<1x128xf32>
    %dot_general3A_577 = tpu.matmul %convert_element_type3A_90, %select_n3A_575, %dot_general3A_576 {dimension_numbers = #tpu.dot_dimension_numbers<[1], [0], [0], [1], [0, 0, 1, 1], [], []>, transpose_lhs_hint = false} : vector<1x8192xf32>, vector<8192x128xf32>, vector<1x128xf32> -> vector<1x128xf32>
    %gt3A_578 = arith.constant 2.400000e+01 : f32
    %gt3A_579 = vector.broadcast %gt3A_578 : f32 to vector<1x128xf32>
    %gt3A_580 = arith.cmpf ogt, %slice3A_88, %gt3A_579 : vector<1x128xf32>
    %select_n3A_581 = arith.select %gt3A_580, %dot_general3A_577, %dot_general3A_102 : vector<1x128xi1>, vector<1x128xf32>
    %add3A_582 = vector.broadcast %convert_element_type3A_93 : f32 to vector<1x128xf32>
    %add3A_583 = arith.addf %select_n3A_581, %add3A_582 : vector<1x128xf32>
    %convert_element_type3A_584 = arith.fptosi %add3A_583 : vector<1x128xf32> to vector<1x128xi32>
    %swap3A_585 = arith.constant 24 : index
    %swap3A_586 = arith.constant 0 : index
    %swap3A_587 = vector.load %arg4[%swap3A_585, %swap3A_586] : memref<32x128xi32, #tpu.memory_space<vmem>>, vector<1x128xi32>
    tpu.vector_store %arg4[%swap3A_585, %swap3A_586], %convert_element_type3A_584 {strides = array<i32>} : memref<32x128xi32, #tpu.memory_space<vmem>>, vector<1x128xi32>,
    %eq3A_588 = arith.constant 2.600000e+01 : f32
    %eq3A_589 = vector.broadcast %eq3A_588 : f32 to vector<8192x128xf32>
    %eq3A_590 = arith.cmpf oeq, %select_n3A, %eq3A_589 : vector<8192x128xf32>
    %jit3A_591 = arith.constant 1.000000e+00 : f32
    %jit3A_592 = arith.constant 0.000000e+00 : f32
    %broadcast_in_dim3A_593 = vector.broadcast %jit3A_591 : f32 to vector<8192x128xf32>
    %broadcast_in_dim3A_594 = vector.broadcast %jit3A_592 : f32 to vector<8192x128xf32>
    %select_n3A_595 = arith.select %eq3A_590, %broadcast_in_dim3A_593, %broadcast_in_dim3A_594 : vector<8192x128xi1>, vector<8192x128xf32>
    %dot_general3A_596 = arith.constant dense<0.000000e+00> : vector<1x128xf32>
    %dot_general3A_597 = tpu.matmul %convert_element_type3A_90, %select_n3A_595, %dot_general3A_596 {dimension_numbers = #tpu.dot_dimension_numbers<[1], [0], [0], [1], [0, 0, 1, 1], [], []>, transpose_lhs_hint = false} : vector<1x8192xf32>, vector<8192x128xf32>, vector<1x128xf32> -> vector<1x128xf32>
    %gt3A_598 = arith.constant 2.500000e+01 : f32
    %gt3A_599 = vector.broadcast %gt3A_598 : f32 to vector<1x128xf32>
    %gt3A_600 = arith.cmpf ogt, %slice3A_88, %gt3A_599 : vector<1x128xf32>
    %select_n3A_601 = arith.select %gt3A_600, %dot_general3A_597, %dot_general3A_102 : vector<1x128xi1>, vector<1x128xf32>
    %add3A_602 = vector.broadcast %convert_element_type3A_93 : f32 to vector<1x128xf32>
    %add3A_603 = arith.addf %select_n3A_601, %add3A_602 : vector<1x128xf32>
    %convert_element_type3A_604 = arith.fptosi %add3A_603 : vector<1x128xf32> to vector<1x128xi32>
    %swap3A_605 = arith.constant 25 : index
    %swap3A_606 = arith.constant 0 : index
    %swap3A_607 = vector.load %arg4[%swap3A_605, %swap3A_606] : memref<32x128xi32, #tpu.memory_space<vmem>>, vector<1x128xi32>
    tpu.vector_store %arg4[%swap3A_605, %swap3A_606], %convert_element_type3A_604 {strides = array<i32>} : memref<32x128xi32, #tpu.memory_space<vmem>>, vector<1x128xi32>,
    %eq3A_608 = arith.constant 2.700000e+01 : f32
    %eq3A_609 = vector.broadcast %eq3A_608 : f32 to vector<8192x128xf32>
    %eq3A_610 = arith.cmpf oeq, %select_n3A, %eq3A_609 : vector<8192x128xf32>
    %jit3A_611 = arith.constant 1.000000e+00 : f32
    %jit3A_612 = arith.constant 0.000000e+00 : f32
    %broadcast_in_dim3A_613 = vector.broadcast %jit3A_611 : f32 to vector<8192x128xf32>
    %broadcast_in_dim3A_614 = vector.broadcast %jit3A_612 : f32 to vector<8192x128xf32>
    %select_n3A_615 = arith.select %eq3A_610, %broadcast_in_dim3A_613, %broadcast_in_dim3A_614 : vector<8192x128xi1>, vector<8192x128xf32>
    %dot_general3A_616 = arith.constant dense<0.000000e+00> : vector<1x128xf32>
    %dot_general3A_617 = tpu.matmul %convert_element_type3A_90, %select_n3A_615, %dot_general3A_616 {dimension_numbers = #tpu.dot_dimension_numbers<[1], [0], [0], [1], [0, 0, 1, 1], [], []>, transpose_lhs_hint = false} : vector<1x8192xf32>, vector<8192x128xf32>, vector<1x128xf32> -> vector<1x128xf32>
    %gt3A_618 = arith.constant 2.600000e+01 : f32
    %gt3A_619 = vector.broadcast %gt3A_618 : f32 to vector<1x128xf32>
    %gt3A_620 = arith.cmpf ogt, %slice3A_88, %gt3A_619 : vector<1x128xf32>
    %select_n3A_621 = arith.select %gt3A_620, %dot_general3A_617, %dot_general3A_102 : vector<1x128xi1>, vector<1x128xf32>
    %add3A_622 = vector.broadcast %convert_element_type3A_93 : f32 to vector<1x128xf32>
    %add3A_623 = arith.addf %select_n3A_621, %add3A_622 : vector<1x128xf32>
    %convert_element_type3A_624 = arith.fptosi %add3A_623 : vector<1x128xf32> to vector<1x128xi32>
    %swap3A_625 = arith.constant 26 : index
    %swap3A_626 = arith.constant 0 : index
    %swap3A_627 = vector.load %arg4[%swap3A_625, %swap3A_626] : memref<32x128xi32, #tpu.memory_space<vmem>>, vector<1x128xi32>
    tpu.vector_store %arg4[%swap3A_625, %swap3A_626], %convert_element_type3A_624 {strides = array<i32>} : memref<32x128xi32, #tpu.memory_space<vmem>>, vector<1x128xi32>,
    %eq3A_628 = arith.constant 2.800000e+01 : f32
    %eq3A_629 = vector.broadcast %eq3A_628 : f32 to vector<8192x128xf32>
    %eq3A_630 = arith.cmpf oeq, %select_n3A, %eq3A_629 : vector<8192x128xf32>
    %jit3A_631 = arith.constant 1.000000e+00 : f32
    %jit3A_632 = arith.constant 0.000000e+00 : f32
    %broadcast_in_dim3A_633 = vector.broadcast %jit3A_631 : f32 to vector<8192x128xf32>
    %broadcast_in_dim3A_634 = vector.broadcast %jit3A_632 : f32 to vector<8192x128xf32>
    %select_n3A_635 = arith.select %eq3A_630, %broadcast_in_dim3A_633, %broadcast_in_dim3A_634 : vector<8192x128xi1>, vector<8192x128xf32>
    %dot_general3A_636 = arith.constant dense<0.000000e+00> : vector<1x128xf32>
    %dot_general3A_637 = tpu.matmul %convert_element_type3A_90, %select_n3A_635, %dot_general3A_636 {dimension_numbers = #tpu.dot_dimension_numbers<[1], [0], [0], [1], [0, 0, 1, 1], [], []>, transpose_lhs_hint = false} : vector<1x8192xf32>, vector<8192x128xf32>, vector<1x128xf32> -> vector<1x128xf32>
    %gt3A_638 = arith.constant 2.700000e+01 : f32
    %gt3A_639 = vector.broadcast %gt3A_638 : f32 to vector<1x128xf32>
    %gt3A_640 = arith.cmpf ogt, %slice3A_88, %gt3A_639 : vector<1x128xf32>
    %select_n3A_641 = arith.select %gt3A_640, %dot_general3A_637, %dot_general3A_102 : vector<1x128xi1>, vector<1x128xf32>
    %add3A_642 = vector.broadcast %convert_element_type3A_93 : f32 to vector<1x128xf32>
    %add3A_643 = arith.addf %select_n3A_641, %add3A_642 : vector<1x128xf32>
    %convert_element_type3A_644 = arith.fptosi %add3A_643 : vector<1x128xf32> to vector<1x128xi32>
    %swap3A_645 = arith.constant 27 : index
    %swap3A_646 = arith.constant 0 : index
    %swap3A_647 = vector.load %arg4[%swap3A_645, %swap3A_646] : memref<32x128xi32, #tpu.memory_space<vmem>>, vector<1x128xi32>
    tpu.vector_store %arg4[%swap3A_645, %swap3A_646], %convert_element_type3A_644 {strides = array<i32>} : memref<32x128xi32, #tpu.memory_space<vmem>>, vector<1x128xi32>,
    %eq3A_648 = arith.constant 2.900000e+01 : f32
    %eq3A_649 = vector.broadcast %eq3A_648 : f32 to vector<8192x128xf32>
    %eq3A_650 = arith.cmpf oeq, %select_n3A, %eq3A_649 : vector<8192x128xf32>
    %jit3A_651 = arith.constant 1.000000e+00 : f32
    %jit3A_652 = arith.constant 0.000000e+00 : f32
    %broadcast_in_dim3A_653 = vector.broadcast %jit3A_651 : f32 to vector<8192x128xf32>
    %broadcast_in_dim3A_654 = vector.broadcast %jit3A_652 : f32 to vector<8192x128xf32>
    %select_n3A_655 = arith.select %eq3A_650, %broadcast_in_dim3A_653, %broadcast_in_dim3A_654 : vector<8192x128xi1>, vector<8192x128xf32>
    %dot_general3A_656 = arith.constant dense<0.000000e+00> : vector<1x128xf32>
    %dot_general3A_657 = tpu.matmul %convert_element_type3A_90, %select_n3A_655, %dot_general3A_656 {dimension_numbers = #tpu.dot_dimension_numbers<[1], [0], [0], [1], [0, 0, 1, 1], [], []>, transpose_lhs_hint = false} : vector<1x8192xf32>, vector<8192x128xf32>, vector<1x128xf32> -> vector<1x128xf32>
    %gt3A_658 = arith.constant 2.800000e+01 : f32
    %gt3A_659 = vector.broadcast %gt3A_658 : f32 to vector<1x128xf32>
    %gt3A_660 = arith.cmpf ogt, %slice3A_88, %gt3A_659 : vector<1x128xf32>
    %select_n3A_661 = arith.select %gt3A_660, %dot_general3A_657, %dot_general3A_102 : vector<1x128xi1>, vector<1x128xf32>
    %add3A_662 = vector.broadcast %convert_element_type3A_93 : f32 to vector<1x128xf32>
    %add3A_663 = arith.addf %select_n3A_661, %add3A_662 : vector<1x128xf32>
    %convert_element_type3A_664 = arith.fptosi %add3A_663 : vector<1x128xf32> to vector<1x128xi32>
    %swap3A_665 = arith.constant 28 : index
    %swap3A_666 = arith.constant 0 : index
    %swap3A_667 = vector.load %arg4[%swap3A_665, %swap3A_666] : memref<32x128xi32, #tpu.memory_space<vmem>>, vector<1x128xi32>
    tpu.vector_store %arg4[%swap3A_665, %swap3A_666], %convert_element_type3A_664 {strides = array<i32>} : memref<32x128xi32, #tpu.memory_space<vmem>>, vector<1x128xi32>,
    %eq3A_668 = arith.constant 3.000000e+01 : f32
    %eq3A_669 = vector.broadcast %eq3A_668 : f32 to vector<8192x128xf32>
    %eq3A_670 = arith.cmpf oeq, %select_n3A, %eq3A_669 : vector<8192x128xf32>
    %jit3A_671 = arith.constant 1.000000e+00 : f32
    %jit3A_672 = arith.constant 0.000000e+00 : f32
    %broadcast_in_dim3A_673 = vector.broadcast %jit3A_671 : f32 to vector<8192x128xf32>
    %broadcast_in_dim3A_674 = vector.broadcast %jit3A_672 : f32 to vector<8192x128xf32>
    %select_n3A_675 = arith.select %eq3A_670, %broadcast_in_dim3A_673, %broadcast_in_dim3A_674 : vector<8192x128xi1>, vector<8192x128xf32>
    %dot_general3A_676 = arith.constant dense<0.000000e+00> : vector<1x128xf32>
    %dot_general3A_677 = tpu.matmul %convert_element_type3A_90, %select_n3A_675, %dot_general3A_676 {dimension_numbers = #tpu.dot_dimension_numbers<[1], [0], [0], [1], [0, 0, 1, 1], [], []>, transpose_lhs_hint = false} : vector<1x8192xf32>, vector<8192x128xf32>, vector<1x128xf32> -> vector<1x128xf32>
    %gt3A_678 = arith.constant 2.900000e+01 : f32
    %gt3A_679 = vector.broadcast %gt3A_678 : f32 to vector<1x128xf32>
    %gt3A_680 = arith.cmpf ogt, %slice3A_88, %gt3A_679 : vector<1x128xf32>
    %select_n3A_681 = arith.select %gt3A_680, %dot_general3A_677, %dot_general3A_102 : vector<1x128xi1>, vector<1x128xf32>
    %add3A_682 = vector.broadcast %convert_element_type3A_93 : f32 to vector<1x128xf32>
    %add3A_683 = arith.addf %select_n3A_681, %add3A_682 : vector<1x128xf32>
    %convert_element_type3A_684 = arith.fptosi %add3A_683 : vector<1x128xf32> to vector<1x128xi32>
    %swap3A_685 = arith.constant 29 : index
    %swap3A_686 = arith.constant 0 : index
    %swap3A_687 = vector.load %arg4[%swap3A_685, %swap3A_686] : memref<32x128xi32, #tpu.memory_space<vmem>>, vector<1x128xi32>
    tpu.vector_store %arg4[%swap3A_685, %swap3A_686], %convert_element_type3A_684 {strides = array<i32>} : memref<32x128xi32, #tpu.memory_space<vmem>>, vector<1x128xi32>,
    %eq3A_688 = arith.constant 3.100000e+01 : f32
    %eq3A_689 = vector.broadcast %eq3A_688 : f32 to vector<8192x128xf32>
    %eq3A_690 = arith.cmpf oeq, %select_n3A, %eq3A_689 : vector<8192x128xf32>
    %jit3A_691 = arith.constant 1.000000e+00 : f32
    %jit3A_692 = arith.constant 0.000000e+00 : f32
    %broadcast_in_dim3A_693 = vector.broadcast %jit3A_691 : f32 to vector<8192x128xf32>
    %broadcast_in_dim3A_694 = vector.broadcast %jit3A_692 : f32 to vector<8192x128xf32>
    %select_n3A_695 = arith.select %eq3A_690, %broadcast_in_dim3A_693, %broadcast_in_dim3A_694 : vector<8192x128xi1>, vector<8192x128xf32>
    %dot_general3A_696 = arith.constant dense<0.000000e+00> : vector<1x128xf32>
    %dot_general3A_697 = tpu.matmul %convert_element_type3A_90, %select_n3A_695, %dot_general3A_696 {dimension_numbers = #tpu.dot_dimension_numbers<[1], [0], [0], [1], [0, 0, 1, 1], [], []>, transpose_lhs_hint = false} : vector<1x8192xf32>, vector<8192x128xf32>, vector<1x128xf32> -> vector<1x128xf32>
    %gt3A_698 = arith.constant 3.000000e+01 : f32
    %gt3A_699 = vector.broadcast %gt3A_698 : f32 to vector<1x128xf32>
    %gt3A_700 = arith.cmpf ogt, %slice3A_88, %gt3A_699 : vector<1x128xf32>
    %select_n3A_701 = arith.select %gt3A_700, %dot_general3A_697, %dot_general3A_102 : vector<1x128xi1>, vector<1x128xf32>
    %add3A_702 = vector.broadcast %convert_element_type3A_93 : f32 to vector<1x128xf32>
    %add3A_703 = arith.addf %select_n3A_701, %add3A_702 : vector<1x128xf32>
    %convert_element_type3A_704 = arith.fptosi %add3A_703 : vector<1x128xf32> to vector<1x128xi32>
    %swap3A_705 = arith.constant 30 : index
    %swap3A_706 = arith.constant 0 : index
    %swap3A_707 = vector.load %arg4[%swap3A_705, %swap3A_706] : memref<32x128xi32, #tpu.memory_space<vmem>>, vector<1x128xi32>
    tpu.vector_store %arg4[%swap3A_705, %swap3A_706], %convert_element_type3A_704 {strides = array<i32>} : memref<32x128xi32, #tpu.memory_space<vmem>>, vector<1x128xi32>,
    %eq3A_708 = arith.constant 3.200000e+01 : f32
    %eq3A_709 = vector.broadcast %eq3A_708 : f32 to vector<8192x128xf32>
    %eq3A_710 = arith.cmpf oeq, %select_n3A, %eq3A_709 : vector<8192x128xf32>
    %jit3A_711 = arith.constant 1.000000e+00 : f32
    %jit3A_712 = arith.constant 0.000000e+00 : f32
    %broadcast_in_dim3A_713 = vector.broadcast %jit3A_711 : f32 to vector<8192x128xf32>
    %broadcast_in_dim3A_714 = vector.broadcast %jit3A_712 : f32 to vector<8192x128xf32>
    %select_n3A_715 = arith.select %eq3A_710, %broadcast_in_dim3A_713, %broadcast_in_dim3A_714 : vector<8192x128xi1>, vector<8192x128xf32>
    %dot_general3A_716 = arith.constant dense<0.000000e+00> : vector<1x128xf32>
    %dot_general3A_717 = tpu.matmul %convert_element_type3A_90, %select_n3A_715, %dot_general3A_716 {dimension_numbers = #tpu.dot_dimension_numbers<[1], [0], [0], [1], [0, 0, 1, 1], [], []>, transpose_lhs_hint = false} : vector<1x8192xf32>, vector<8192x128xf32>, vector<1x128xf32> -> vector<1x128xf32>
    %gt3A_718 = arith.constant 3.100000e+01 : f32
    %gt3A_719 = vector.broadcast %gt3A_718 : f32 to vector<1x128xf32>
    %gt3A_720 = arith.cmpf ogt, %slice3A_88, %gt3A_719 : vector<1x128xf32>
    %select_n3A_721 = arith.select %gt3A_720, %dot_general3A_717, %dot_general3A_102 : vector<1x128xi1>, vector<1x128xf32>
    %add3A_722 = vector.broadcast %convert_element_type3A_93 : f32 to vector<1x128xf32>
    %add3A_723 = arith.addf %select_n3A_721, %add3A_722 : vector<1x128xf32>
    %convert_element_type3A_724 = arith.fptosi %add3A_723 : vector<1x128xf32> to vector<1x128xi32>
    %swap3A_725 = arith.constant 31 : index
    %swap3A_726 = arith.constant 0 : index
    %swap3A_727 = vector.load %arg4[%swap3A_725, %swap3A_726] : memref<32x128xi32, #tpu.memory_space<vmem>>, vector<1x128xi32>
    tpu.vector_store %arg4[%swap3A_725, %swap3A_726], %convert_element_type3A_724 {strides = array<i32>} : memref<32x128xi32, #tpu.memory_space<vmem>>, vector<1x128xi32>,
    return
  }
  func.func @transform_0(%arg0: i32, %arg1: i32) -> (i32, i32, i32) {
    %c0_i32 = arith.constant 0 : i32
    %c0_i32_0 = arith.constant 0 : i32
    %c0_i32_1 = arith.constant 0 : i32
    return %arg0, %c0_i32, %c0_i32_0 : i32, i32, i32
  }
  func.func @transform_1(%arg0: i32, %arg1: i32) -> (i32, i32, i32) {
    %c0_i32 = arith.constant 0 : i32
    %c0_i32_0 = arith.constant 0 : i32
    return %arg0, %c0_i32, %arg1 : i32, i32, i32
  }
  func.func @transform_2(%arg0: i32, %arg1: i32) -> (i32, i32) {
    %mul3A = arith.constant 4 : i32
    %mul3A_0 = arith.muli %arg0, %mul3A : i32
    %add3A = arith.addi %mul3A_0, %arg1 : i32
    %c0_i32 = arith.constant 0 : i32
    %c0_i32_1 = arith.constant 0 : i32
    return %c0_i32, %add3A : i32, i32
  }
}

module attributes {stable_mosaic.version = 14 : i64} {
  func.func @_transpose_kernel(%arg0: i32, %arg1: memref<4096x128xf32, #tpu.memory_space<vmem>>, %arg2: memref<16x4096xf32, #tpu.memory_space<vmem>>) attributes {dimension_semantics = [#tpu.dimension_semantics<arbitrary>], iteration_bounds = array<i64: 8>, scalar_prefetch = 0 : i64, scratch_operands = 0 : i64, tpu.core_type = #tpu.core_type<tc>, window_params = [{transform_indices = @transform_0, window_bounds = array<i64: 4096, 128>}, {transform_indices = @transform_1, window_bounds = array<i64: 16, 4096>}]} {
    %get3A = arith.constant 0 : index
    %get3A_0 = arith.constant 0 : index
    %get3A_1 = vector.load %arg1[%get3A, %get3A_0] : memref<4096x128xf32, #tpu.memory_space<vmem>>, vector<4096x16xf32>
    %transpose3A = tpu.transpose %get3A_1, [1, 0] : vector<4096x16xf32> -> vector<16x4096xf32>
    %swap3A = arith.constant 0 : index
    %swap3A_2 = arith.constant 0 : index
    %swap3A_3 = vector.load %arg2[%swap3A, %swap3A_2] : memref<16x4096xf32, #tpu.memory_space<vmem>>, vector<16x4096xf32>
    tpu.vector_store %arg2[%swap3A, %swap3A_2], %transpose3A {strides = array<i32>} : memref<16x4096xf32, #tpu.memory_space<vmem>>, vector<16x4096xf32>,
    return
  }
  func.func @transform_0(%arg0: i32) -> (i32, i32) {
    %c0_i32 = arith.constant 0 : i32
    %c0_i32_0 = arith.constant 0 : i32
    return %arg0, %c0_i32 : i32, i32
  }
  func.func @transform_1(%arg0: i32) -> (i32, i32) {
    %c0_i32 = arith.constant 0 : i32
    %c0_i32_0 = arith.constant 0 : i32
    return %c0_i32, %arg0 : i32, i32
  }
}

module attributes {stable_mosaic.version = 14 : i64} {
  func.func @_mlp_kernel(%arg0: memref<16x32768xf32, #tpu.memory_space<vmem>>, %arg1: memref<16x32768xf32, #tpu.memory_space<vmem>>, %arg2: memref<3x2048xf32, #tpu.memory_space<vmem>>, %arg3: memref<32x6xf32, #tpu.memory_space<vmem>>, %arg4: memref<32x1xf32, #tpu.memory_space<vmem>>, %arg5: memref<32x1xf32, #tpu.memory_space<vmem>>, %arg6: memref<32x1xf32, #tpu.memory_space<vmem>>, %arg7: memref<32x32xf32, #tpu.memory_space<vmem>>, %arg8: memref<32x1xf32, #tpu.memory_space<vmem>>, %arg9: memref<32x1xf32, #tpu.memory_space<vmem>>, %arg10: memref<32x1xf32, #tpu.memory_space<vmem>>, %arg11: memref<64x32xf32, #tpu.memory_space<vmem>>, %arg12: memref<64x1xf32, #tpu.memory_space<vmem>>, %arg13: memref<64x1xf32, #tpu.memory_space<vmem>>, %arg14: memref<64x1xf32, #tpu.memory_space<vmem>>, %arg15: memref<4x64x512xf32, #tpu.memory_space<vmem>>) attributes {dimension_semantics = [], scalar_prefetch = 0 : i64, scratch_operands = 0 : i64, tpu.core_type = #tpu.core_type<tc>} {
    %get3A = arith.constant 0 : index
    %get3A_0 = arith.constant 0 : index
    %get3A_1 = vector.load %arg0[%get3A, %get3A_0] : memref<16x32768xf32, #tpu.memory_space<vmem>>, vector<6x32768xf32>
    %get3A_2 = arith.constant 0 : index
    %get3A_3 = arith.constant 0 : index
    %get3A_4 = vector.load %arg1[%get3A_2, %get3A_3] : memref<16x32768xf32, #tpu.memory_space<vmem>>, vector<6x32768xf32>
    %concatenate3A = tpu.concatenate %get3A_1, %get3A_4 in 1 : vector<6x32768xf32>, vector<6x32768xf32> -> vector<6x65536xf32>
    %get3A_5 = arith.constant 0 : index
    %get3A_6 = arith.constant 0 : index
    %get3A_7 = vector.load %arg2[%get3A_5, %get3A_6] : memref<3x2048xf32, #tpu.memory_space<vmem>>, vector<3x2048xf32>
    %concatenate3A_8 = tpu.concatenate %get3A_7, %get3A_7, %get3A_7, %get3A_7, %get3A_7, %get3A_7, %get3A_7, %get3A_7, %get3A_7, %get3A_7, %get3A_7, %get3A_7, %get3A_7, %get3A_7, %get3A_7, %get3A_7, %get3A_7, %get3A_7, %get3A_7, %get3A_7, %get3A_7, %get3A_7, %get3A_7, %get3A_7, %get3A_7, %get3A_7, %get3A_7, %get3A_7, %get3A_7, %get3A_7, %get3A_7, %get3A_7 in 1 : vector<3x2048xf32>, vector<3x2048xf32>, vector<3x2048xf32>, vector<3x2048xf32>, vector<3x2048xf32>, vector<3x2048xf32>, vector<3x2048xf32>, vector<3x2048xf32>, vector<3x2048xf32>, vector<3x2048xf32>, vector<3x2048xf32>, vector<3x2048xf32>, vector<3x2048xf32>, vector<3x2048xf32>, vector<3x2048xf32>, vector<3x2048xf32>, vector<3x2048xf32>, vector<3x2048xf32>, vector<3x2048xf32>, vector<3x2048xf32>, vector<3x2048xf32>, vector<3x2048xf32>, vector<3x2048xf32>, vector<3x2048xf32>, vector<3x2048xf32>, vector<3x2048xf32>, vector<3x2048xf32>, vector<3x2048xf32>, vector<3x2048xf32>, vector<3x2048xf32>, vector<3x2048xf32>, vector<3x2048xf32> -> vector<3x65536xf32>
    %slice3A = vector.extract_strided_slice %concatenate3A {offsets = [0, 0], sizes = [3, 65536], strides = [1, 1]} : vector<6x65536xf32> to vector<3x65536xf32>
    %sub3A = arith.subf %slice3A, %concatenate3A_8 : vector<3x65536xf32>
    %slice3A_9 = vector.extract_strided_slice %concatenate3A {offsets = [3, 0], sizes = [3, 65536], strides = [1, 1]} : vector<6x65536xf32> to vector<3x65536xf32>
    %concatenate3A_10 = tpu.concatenate %sub3A, %slice3A_9 in 0 : vector<3x65536xf32>, vector<3x65536xf32> -> vector<6x65536xf32>
    %get3A_11 = arith.constant 0 : index
    %get3A_12 = arith.constant 0 : index
    %get3A_13 = vector.load %arg3[%get3A_11, %get3A_12] : memref<32x6xf32, #tpu.memory_space<vmem>>, vector<32x6xf32>
    %dot_general3A = arith.constant dense<0.000000e+00> : vector<32x65536xf32>
    %dot_general3A_14 = tpu.matmul %get3A_13, %concatenate3A_10, %dot_general3A {dimension_numbers = #tpu.dot_dimension_numbers<[1], [0], [0], [1], [0, 0, 1, 1], [], []>, transpose_lhs_hint = false} : vector<32x6xf32>, vector<6x65536xf32>, vector<32x65536xf32> -> vector<32x65536xf32>
    %get3A_15 = arith.constant 0 : index
    %get3A_16 = arith.constant 0 : index
    %get3A_17 = vector.load %arg4[%get3A_15, %get3A_16] : memref<32x1xf32, #tpu.memory_space<vmem>>, vector<32x1xf32>
    %add3A = vector.broadcast %get3A_17 : vector<32x1xf32> to vector<32x65536xf32>
    %add3A_18 = arith.addf %dot_general3A_14, %add3A : vector<32x65536xf32>
    %reduce_sum3A = arith.constant dense<0.000000e+00> : vector<32xf32>
    %reduce_sum3A_19 = vector.multi_reduction <add>, %add3A_18, %reduce_sum3A [1] : vector<32x65536xf32> to vector<32xf32>
    %broadcast_in_dim3A = vector.shape_cast %reduce_sum3A_19 : vector<32xf32> to vector<32x1xf32>
    %div3A = arith.constant 6.553600e+04 : f32
    %div3A_20 = vector.broadcast %div3A : f32 to vector<32x1xf32>
    %div3A_21 = arith.divf %broadcast_in_dim3A, %div3A_20 : vector<32x1xf32>
    %sub3A_22 = vector.broadcast %div3A_21 : vector<32x1xf32> to vector<32x65536xf32>
    %sub3A_23 = arith.subf %add3A_18, %sub3A_22 : vector<32x65536xf32>
    %integer_pow3A = arith.mulf %sub3A_23, %sub3A_23 : vector<32x65536xf32>
    %reduce_sum3A_24 = arith.constant dense<0.000000e+00> : vector<32xf32>
    %reduce_sum3A_25 = vector.multi_reduction <add>, %integer_pow3A, %reduce_sum3A_24 [1] : vector<32x65536xf32> to vector<32xf32>
    %broadcast_in_dim3A_26 = vector.shape_cast %reduce_sum3A_25 : vector<32xf32> to vector<32x1xf32>
    %div3A_27 = arith.constant 6.553600e+04 : f32
    %div3A_28 = vector.broadcast %div3A_27 : f32 to vector<32x1xf32>
    %div3A_29 = arith.divf %broadcast_in_dim3A_26, %div3A_28 : vector<32x1xf32>
    %sub3A_30 = vector.broadcast %div3A_21 : vector<32x1xf32> to vector<32x65536xf32>
    %sub3A_31 = arith.subf %add3A_18, %sub3A_30 : vector<32x65536xf32>
    %add3A_32 = arith.constant 9.99999974E-6 : f32
    %add3A_33 = vector.broadcast %add3A_32 : f32 to vector<32x1xf32>
    %add3A_34 = arith.addf %div3A_29, %add3A_33 : vector<32x1xf32>
    %sqrt3A = math.sqrt %add3A_34 : vector<32x1xf32>
    %div3A_35 = vector.broadcast %sqrt3A : vector<32x1xf32> to vector<32x65536xf32>
    %div3A_36 = arith.divf %sub3A_31, %div3A_35 : vector<32x65536xf32>
    %get3A_37 = arith.constant 0 : index
    %get3A_38 = arith.constant 0 : index
    %get3A_39 = vector.load %arg5[%get3A_37, %get3A_38] : memref<32x1xf32, #tpu.memory_space<vmem>>, vector<32x1xf32>
    %mul3A = vector.broadcast %get3A_39 : vector<32x1xf32> to vector<32x65536xf32>
    %mul3A_40 = arith.mulf %mul3A, %div3A_36 : vector<32x65536xf32>
    %get3A_41 = arith.constant 0 : index
    %get3A_42 = arith.constant 0 : index
    %get3A_43 = vector.load %arg6[%get3A_41, %get3A_42] : memref<32x1xf32, #tpu.memory_space<vmem>>, vector<32x1xf32>
    %add3A_44 = vector.broadcast %get3A_43 : vector<32x1xf32> to vector<32x65536xf32>
    %add3A_45 = arith.addf %mul3A_40, %add3A_44 : vector<32x65536xf32>
    %max3A = arith.constant 0.000000e+00 : f32
    %max3A_46 = vector.broadcast %max3A : f32 to vector<32x65536xf32>
    %max3A_47 = arith.maximumf %add3A_45, %max3A_46 : vector<32x65536xf32>
    %get3A_48 = arith.constant 0 : index
    %get3A_49 = arith.constant 0 : index
    %get3A_50 = vector.load %arg7[%get3A_48, %get3A_49] : memref<32x32xf32, #tpu.memory_space<vmem>>, vector<32x32xf32>
    %dot_general3A_51 = arith.constant dense<0.000000e+00> : vector<32x65536xf32>
    %dot_general3A_52 = tpu.matmul %get3A_50, %max3A_47, %dot_general3A_51 {dimension_numbers = #tpu.dot_dimension_numbers<[1], [0], [0], [1], [0, 0, 1, 1], [], []>, transpose_lhs_hint = false} : vector<32x32xf32>, vector<32x65536xf32>, vector<32x65536xf32> -> vector<32x65536xf32>
    %get3A_53 = arith.constant 0 : index
    %get3A_54 = arith.constant 0 : index
    %get3A_55 = vector.load %arg8[%get3A_53, %get3A_54] : memref<32x1xf32, #tpu.memory_space<vmem>>, vector<32x1xf32>
    %add3A_56 = vector.broadcast %get3A_55 : vector<32x1xf32> to vector<32x65536xf32>
    %add3A_57 = arith.addf %dot_general3A_52, %add3A_56 : vector<32x65536xf32>
    %reduce_sum3A_58 = arith.constant dense<0.000000e+00> : vector<32xf32>
    %reduce_sum3A_59 = vector.multi_reduction <add>, %add3A_57, %reduce_sum3A_58 [1] : vector<32x65536xf32> to vector<32xf32>
    %broadcast_in_dim3A_60 = vector.shape_cast %reduce_sum3A_59 : vector<32xf32> to vector<32x1xf32>
    %div3A_61 = arith.constant 6.553600e+04 : f32
    %div3A_62 = vector.broadcast %div3A_61 : f32 to vector<32x1xf32>
    %div3A_63 = arith.divf %broadcast_in_dim3A_60, %div3A_62 : vector<32x1xf32>
    %sub3A_64 = vector.broadcast %div3A_63 : vector<32x1xf32> to vector<32x65536xf32>
    %sub3A_65 = arith.subf %add3A_57, %sub3A_64 : vector<32x65536xf32>
    %integer_pow3A_66 = arith.mulf %sub3A_65, %sub3A_65 : vector<32x65536xf32>
    %reduce_sum3A_67 = arith.constant dense<0.000000e+00> : vector<32xf32>
    %reduce_sum3A_68 = vector.multi_reduction <add>, %integer_pow3A_66, %reduce_sum3A_67 [1] : vector<32x65536xf32> to vector<32xf32>
    %broadcast_in_dim3A_69 = vector.shape_cast %reduce_sum3A_68 : vector<32xf32> to vector<32x1xf32>
    %div3A_70 = arith.constant 6.553600e+04 : f32
    %div3A_71 = vector.broadcast %div3A_70 : f32 to vector<32x1xf32>
    %div3A_72 = arith.divf %broadcast_in_dim3A_69, %div3A_71 : vector<32x1xf32>
    %sub3A_73 = vector.broadcast %div3A_63 : vector<32x1xf32> to vector<32x65536xf32>
    %sub3A_74 = arith.subf %add3A_57, %sub3A_73 : vector<32x65536xf32>
    %add3A_75 = arith.constant 9.99999974E-6 : f32
    %add3A_76 = vector.broadcast %add3A_75 : f32 to vector<32x1xf32>
    %add3A_77 = arith.addf %div3A_72, %add3A_76 : vector<32x1xf32>
    %sqrt3A_78 = math.sqrt %add3A_77 : vector<32x1xf32>
    %div3A_79 = vector.broadcast %sqrt3A_78 : vector<32x1xf32> to vector<32x65536xf32>
    %div3A_80 = arith.divf %sub3A_74, %div3A_79 : vector<32x65536xf32>
    %get3A_81 = arith.constant 0 : index
    %get3A_82 = arith.constant 0 : index
    %get3A_83 = vector.load %arg9[%get3A_81, %get3A_82] : memref<32x1xf32, #tpu.memory_space<vmem>>, vector<32x1xf32>
    %mul3A_84 = vector.broadcast %get3A_83 : vector<32x1xf32> to vector<32x65536xf32>
    %mul3A_85 = arith.mulf %mul3A_84, %div3A_80 : vector<32x65536xf32>
    %get3A_86 = arith.constant 0 : index
    %get3A_87 = arith.constant 0 : index
    %get3A_88 = vector.load %arg10[%get3A_86, %get3A_87] : memref<32x1xf32, #tpu.memory_space<vmem>>, vector<32x1xf32>
    %add3A_89 = vector.broadcast %get3A_88 : vector<32x1xf32> to vector<32x65536xf32>
    %add3A_90 = arith.addf %mul3A_85, %add3A_89 : vector<32x65536xf32>
    %max3A_91 = arith.constant 0.000000e+00 : f32
    %max3A_92 = vector.broadcast %max3A_91 : f32 to vector<32x65536xf32>
    %max3A_93 = arith.maximumf %add3A_90, %max3A_92 : vector<32x65536xf32>
    %get3A_94 = arith.constant 0 : index
    %get3A_95 = arith.constant 0 : index
    %get3A_96 = vector.load %arg11[%get3A_94, %get3A_95] : memref<64x32xf32, #tpu.memory_space<vmem>>, vector<64x32xf32>
    %dot_general3A_97 = arith.constant dense<0.000000e+00> : vector<64x65536xf32>
    %dot_general3A_98 = tpu.matmul %get3A_96, %max3A_93, %dot_general3A_97 {dimension_numbers = #tpu.dot_dimension_numbers<[1], [0], [0], [1], [0, 0, 1, 1], [], []>, transpose_lhs_hint = false} : vector<64x32xf32>, vector<32x65536xf32>, vector<64x65536xf32> -> vector<64x65536xf32>
    %get3A_99 = arith.constant 0 : index
    %get3A_100 = arith.constant 0 : index
    %get3A_101 = vector.load %arg12[%get3A_99, %get3A_100] : memref<64x1xf32, #tpu.memory_space<vmem>>, vector<64x1xf32>
    %add3A_102 = vector.broadcast %get3A_101 : vector<64x1xf32> to vector<64x65536xf32>
    %add3A_103 = arith.addf %dot_general3A_98, %add3A_102 : vector<64x65536xf32>
    %reduce_sum3A_104 = arith.constant dense<0.000000e+00> : vector<64xf32>
    %reduce_sum3A_105 = vector.multi_reduction <add>, %add3A_103, %reduce_sum3A_104 [1] : vector<64x65536xf32> to vector<64xf32>
    %broadcast_in_dim3A_106 = vector.shape_cast %reduce_sum3A_105 : vector<64xf32> to vector<64x1xf32>
    %div3A_107 = arith.constant 6.553600e+04 : f32
    %div3A_108 = vector.broadcast %div3A_107 : f32 to vector<64x1xf32>
    %div3A_109 = arith.divf %broadcast_in_dim3A_106, %div3A_108 : vector<64x1xf32>
    %sub3A_110 = vector.broadcast %div3A_109 : vector<64x1xf32> to vector<64x65536xf32>
    %sub3A_111 = arith.subf %add3A_103, %sub3A_110 : vector<64x65536xf32>
    %integer_pow3A_112 = arith.mulf %sub3A_111, %sub3A_111 : vector<64x65536xf32>
    %reduce_sum3A_113 = arith.constant dense<0.000000e+00> : vector<64xf32>
    %reduce_sum3A_114 = vector.multi_reduction <add>, %integer_pow3A_112, %reduce_sum3A_113 [1] : vector<64x65536xf32> to vector<64xf32>
    %broadcast_in_dim3A_115 = vector.shape_cast %reduce_sum3A_114 : vector<64xf32> to vector<64x1xf32>
    %div3A_116 = arith.constant 6.553600e+04 : f32
    %div3A_117 = vector.broadcast %div3A_116 : f32 to vector<64x1xf32>
    %div3A_118 = arith.divf %broadcast_in_dim3A_115, %div3A_117 : vector<64x1xf32>
    %sub3A_119 = vector.broadcast %div3A_109 : vector<64x1xf32> to vector<64x65536xf32>
    %sub3A_120 = arith.subf %add3A_103, %sub3A_119 : vector<64x65536xf32>
    %add3A_121 = arith.constant 9.99999974E-6 : f32
    %add3A_122 = vector.broadcast %add3A_121 : f32 to vector<64x1xf32>
    %add3A_123 = arith.addf %div3A_118, %add3A_122 : vector<64x1xf32>
    %sqrt3A_124 = math.sqrt %add3A_123 : vector<64x1xf32>
    %div3A_125 = vector.broadcast %sqrt3A_124 : vector<64x1xf32> to vector<64x65536xf32>
    %div3A_126 = arith.divf %sub3A_120, %div3A_125 : vector<64x65536xf32>
    %get3A_127 = arith.constant 0 : index
    %get3A_128 = arith.constant 0 : index
    %get3A_129 = vector.load %arg13[%get3A_127, %get3A_128] : memref<64x1xf32, #tpu.memory_space<vmem>>, vector<64x1xf32>
    %mul3A_130 = vector.broadcast %get3A_129 : vector<64x1xf32> to vector<64x65536xf32>
    %mul3A_131 = arith.mulf %mul3A_130, %div3A_126 : vector<64x65536xf32>
    %get3A_132 = arith.constant 0 : index
    %get3A_133 = arith.constant 0 : index
    %get3A_134 = vector.load %arg14[%get3A_132, %get3A_133] : memref<64x1xf32, #tpu.memory_space<vmem>>, vector<64x1xf32>
    %add3A_135 = vector.broadcast %get3A_134 : vector<64x1xf32> to vector<64x65536xf32>
    %add3A_136 = arith.addf %mul3A_131, %add3A_135 : vector<64x65536xf32>
    %max3A_137 = arith.constant 0.000000e+00 : f32
    %max3A_138 = vector.broadcast %max3A_137 : f32 to vector<64x65536xf32>
    %max3A_139 = arith.maximumf %add3A_136, %max3A_138 : vector<64x65536xf32>
    %slice3A_140 = vector.extract_strided_slice %max3A_139 {offsets = [0, 0], sizes = [64, 2048], strides = [1, 1]} : vector<64x65536xf32> to vector<64x2048xf32>
    %slice3A_141 = vector.extract_strided_slice %max3A_139 {offsets = [0, 2048], sizes = [64, 2048], strides = [1, 1]} : vector<64x65536xf32> to vector<64x2048xf32>
    %max3A_142 = arith.maximumf %slice3A_140, %slice3A_141 : vector<64x2048xf32>
    %slice3A_143 = vector.extract_strided_slice %max3A_139 {offsets = [0, 4096], sizes = [64, 2048], strides = [1, 1]} : vector<64x65536xf32> to vector<64x2048xf32>
    %max3A_144 = arith.maximumf %max3A_142, %slice3A_143 : vector<64x2048xf32>
    %slice3A_145 = vector.extract_strided_slice %max3A_139 {offsets = [0, 6144], sizes = [64, 2048], strides = [1, 1]} : vector<64x65536xf32> to vector<64x2048xf32>
    %max3A_146 = arith.maximumf %max3A_144, %slice3A_145 : vector<64x2048xf32>
    %slice3A_147 = vector.extract_strided_slice %max3A_139 {offsets = [0, 8192], sizes = [64, 2048], strides = [1, 1]} : vector<64x65536xf32> to vector<64x2048xf32>
    %max3A_148 = arith.maximumf %max3A_146, %slice3A_147 : vector<64x2048xf32>
    %slice3A_149 = vector.extract_strided_slice %max3A_139 {offsets = [0, 10240], sizes = [64, 2048], strides = [1, 1]} : vector<64x65536xf32> to vector<64x2048xf32>
    %max3A_150 = arith.maximumf %max3A_148, %slice3A_149 : vector<64x2048xf32>
    %slice3A_151 = vector.extract_strided_slice %max3A_139 {offsets = [0, 12288], sizes = [64, 2048], strides = [1, 1]} : vector<64x65536xf32> to vector<64x2048xf32>
    %max3A_152 = arith.maximumf %max3A_150, %slice3A_151 : vector<64x2048xf32>
    %slice3A_153 = vector.extract_strided_slice %max3A_139 {offsets = [0, 14336], sizes = [64, 2048], strides = [1, 1]} : vector<64x65536xf32> to vector<64x2048xf32>
    %max3A_154 = arith.maximumf %max3A_152, %slice3A_153 : vector<64x2048xf32>
    %slice3A_155 = vector.extract_strided_slice %max3A_139 {offsets = [0, 16384], sizes = [64, 2048], strides = [1, 1]} : vector<64x65536xf32> to vector<64x2048xf32>
    %max3A_156 = arith.maximumf %max3A_154, %slice3A_155 : vector<64x2048xf32>
    %slice3A_157 = vector.extract_strided_slice %max3A_139 {offsets = [0, 18432], sizes = [64, 2048], strides = [1, 1]} : vector<64x65536xf32> to vector<64x2048xf32>
    %max3A_158 = arith.maximumf %max3A_156, %slice3A_157 : vector<64x2048xf32>
    %slice3A_159 = vector.extract_strided_slice %max3A_139 {offsets = [0, 20480], sizes = [64, 2048], strides = [1, 1]} : vector<64x65536xf32> to vector<64x2048xf32>
    %max3A_160 = arith.maximumf %max3A_158, %slice3A_159 : vector<64x2048xf32>
    %slice3A_161 = vector.extract_strided_slice %max3A_139 {offsets = [0, 22528], sizes = [64, 2048], strides = [1, 1]} : vector<64x65536xf32> to vector<64x2048xf32>
    %max3A_162 = arith.maximumf %max3A_160, %slice3A_161 : vector<64x2048xf32>
    %slice3A_163 = vector.extract_strided_slice %max3A_139 {offsets = [0, 24576], sizes = [64, 2048], strides = [1, 1]} : vector<64x65536xf32> to vector<64x2048xf32>
    %max3A_164 = arith.maximumf %max3A_162, %slice3A_163 : vector<64x2048xf32>
    %slice3A_165 = vector.extract_strided_slice %max3A_139 {offsets = [0, 26624], sizes = [64, 2048], strides = [1, 1]} : vector<64x65536xf32> to vector<64x2048xf32>
    %max3A_166 = arith.maximumf %max3A_164, %slice3A_165 : vector<64x2048xf32>
    %slice3A_167 = vector.extract_strided_slice %max3A_139 {offsets = [0, 28672], sizes = [64, 2048], strides = [1, 1]} : vector<64x65536xf32> to vector<64x2048xf32>
    %max3A_168 = arith.maximumf %max3A_166, %slice3A_167 : vector<64x2048xf32>
    %slice3A_169 = vector.extract_strided_slice %max3A_139 {offsets = [0, 30720], sizes = [64, 2048], strides = [1, 1]} : vector<64x65536xf32> to vector<64x2048xf32>
    %max3A_170 = arith.maximumf %max3A_168, %slice3A_169 : vector<64x2048xf32>
    %slice3A_171 = vector.extract_strided_slice %max3A_139 {offsets = [0, 32768], sizes = [64, 2048], strides = [1, 1]} : vector<64x65536xf32> to vector<64x2048xf32>
    %max3A_172 = arith.maximumf %max3A_170, %slice3A_171 : vector<64x2048xf32>
    %slice3A_173 = vector.extract_strided_slice %max3A_139 {offsets = [0, 34816], sizes = [64, 2048], strides = [1, 1]} : vector<64x65536xf32> to vector<64x2048xf32>
    %max3A_174 = arith.maximumf %max3A_172, %slice3A_173 : vector<64x2048xf32>
    %slice3A_175 = vector.extract_strided_slice %max3A_139 {offsets = [0, 36864], sizes = [64, 2048], strides = [1, 1]} : vector<64x65536xf32> to vector<64x2048xf32>
    %max3A_176 = arith.maximumf %max3A_174, %slice3A_175 : vector<64x2048xf32>
    %slice3A_177 = vector.extract_strided_slice %max3A_139 {offsets = [0, 38912], sizes = [64, 2048], strides = [1, 1]} : vector<64x65536xf32> to vector<64x2048xf32>
    %max3A_178 = arith.maximumf %max3A_176, %slice3A_177 : vector<64x2048xf32>
    %slice3A_179 = vector.extract_strided_slice %max3A_139 {offsets = [0, 40960], sizes = [64, 2048], strides = [1, 1]} : vector<64x65536xf32> to vector<64x2048xf32>
    %max3A_180 = arith.maximumf %max3A_178, %slice3A_179 : vector<64x2048xf32>
    %slice3A_181 = vector.extract_strided_slice %max3A_139 {offsets = [0, 43008], sizes = [64, 2048], strides = [1, 1]} : vector<64x65536xf32> to vector<64x2048xf32>
    %max3A_182 = arith.maximumf %max3A_180, %slice3A_181 : vector<64x2048xf32>
    %slice3A_183 = vector.extract_strided_slice %max3A_139 {offsets = [0, 45056], sizes = [64, 2048], strides = [1, 1]} : vector<64x65536xf32> to vector<64x2048xf32>
    %max3A_184 = arith.maximumf %max3A_182, %slice3A_183 : vector<64x2048xf32>
    %slice3A_185 = vector.extract_strided_slice %max3A_139 {offsets = [0, 47104], sizes = [64, 2048], strides = [1, 1]} : vector<64x65536xf32> to vector<64x2048xf32>
    %max3A_186 = arith.maximumf %max3A_184, %slice3A_185 : vector<64x2048xf32>
    %slice3A_187 = vector.extract_strided_slice %max3A_139 {offsets = [0, 49152], sizes = [64, 2048], strides = [1, 1]} : vector<64x65536xf32> to vector<64x2048xf32>
    %max3A_188 = arith.maximumf %max3A_186, %slice3A_187 : vector<64x2048xf32>
    %slice3A_189 = vector.extract_strided_slice %max3A_139 {offsets = [0, 51200], sizes = [64, 2048], strides = [1, 1]} : vector<64x65536xf32> to vector<64x2048xf32>
    %max3A_190 = arith.maximumf %max3A_188, %slice3A_189 : vector<64x2048xf32>
    %slice3A_191 = vector.extract_strided_slice %max3A_139 {offsets = [0, 53248], sizes = [64, 2048], strides = [1, 1]} : vector<64x65536xf32> to vector<64x2048xf32>
    %max3A_192 = arith.maximumf %max3A_190, %slice3A_191 : vector<64x2048xf32>
    %slice3A_193 = vector.extract_strided_slice %max3A_139 {offsets = [0, 55296], sizes = [64, 2048], strides = [1, 1]} : vector<64x65536xf32> to vector<64x2048xf32>
    %max3A_194 = arith.maximumf %max3A_192, %slice3A_193 : vector<64x2048xf32>
    %slice3A_195 = vector.extract_strided_slice %max3A_139 {offsets = [0, 57344], sizes = [64, 2048], strides = [1, 1]} : vector<64x65536xf32> to vector<64x2048xf32>
    %max3A_196 = arith.maximumf %max3A_194, %slice3A_195 : vector<64x2048xf32>
    %slice3A_197 = vector.extract_strided_slice %max3A_139 {offsets = [0, 59392], sizes = [64, 2048], strides = [1, 1]} : vector<64x65536xf32> to vector<64x2048xf32>
    %max3A_198 = arith.maximumf %max3A_196, %slice3A_197 : vector<64x2048xf32>
    %slice3A_199 = vector.extract_strided_slice %max3A_139 {offsets = [0, 61440], sizes = [64, 2048], strides = [1, 1]} : vector<64x65536xf32> to vector<64x2048xf32>
    %max3A_200 = arith.maximumf %max3A_198, %slice3A_199 : vector<64x2048xf32>
    %slice3A_201 = vector.extract_strided_slice %max3A_139 {offsets = [0, 63488], sizes = [64, 2048], strides = [1, 1]} : vector<64x65536xf32> to vector<64x2048xf32>
    %max3A_202 = arith.maximumf %max3A_200, %slice3A_201 : vector<64x2048xf32>
    %slice3A_203 = vector.extract_strided_slice %max3A_202 {offsets = [0, 0], sizes = [64, 512], strides = [1, 1]} : vector<64x2048xf32> to vector<64x512xf32>
    %swap3A = arith.constant 0 : index
    %swap3A_204 = arith.constant 0 : index
    %swap3A_205 = arith.constant 0 : index
    %swap3A_206 = vector.load %arg15[%swap3A, %swap3A_204, %swap3A_205] : memref<4x64x512xf32, #tpu.memory_space<vmem>>, vector<1x64x512xf32>
    %swap3A_207 = vector.shape_cast %swap3A_206 : vector<1x64x512xf32> to vector<64x512xf32>
    %swap3A_208 = vector.shape_cast %slice3A_203 : vector<64x512xf32> to vector<1x64x512xf32>
    tpu.vector_store %arg15[%swap3A, %swap3A_204, %swap3A_205], %swap3A_208 {strides = array<i32>} : memref<4x64x512xf32, #tpu.memory_space<vmem>>, vector<1x64x512xf32>,
    %slice3A_209 = vector.extract_strided_slice %max3A_202 {offsets = [0, 512], sizes = [64, 512], strides = [1, 1]} : vector<64x2048xf32> to vector<64x512xf32>
    %swap3A_210 = arith.constant 1 : index
    %swap3A_211 = arith.constant 0 : index
    %swap3A_212 = arith.constant 0 : index
    %swap3A_213 = vector.load %arg15[%swap3A_210, %swap3A_211, %swap3A_212] : memref<4x64x512xf32, #tpu.memory_space<vmem>>, vector<1x64x512xf32>
    %swap3A_214 = vector.shape_cast %swap3A_213 : vector<1x64x512xf32> to vector<64x512xf32>
    %swap3A_215 = vector.shape_cast %slice3A_209 : vector<64x512xf32> to vector<1x64x512xf32>
    tpu.vector_store %arg15[%swap3A_210, %swap3A_211, %swap3A_212], %swap3A_215 {strides = array<i32>} : memref<4x64x512xf32, #tpu.memory_space<vmem>>, vector<1x64x512xf32>,
    %slice3A_216 = vector.extract_strided_slice %max3A_202 {offsets = [0, 1024], sizes = [64, 512], strides = [1, 1]} : vector<64x2048xf32> to vector<64x512xf32>
    %swap3A_217 = arith.constant 2 : index
    %swap3A_218 = arith.constant 0 : index
    %swap3A_219 = arith.constant 0 : index
    %swap3A_220 = vector.load %arg15[%swap3A_217, %swap3A_218, %swap3A_219] : memref<4x64x512xf32, #tpu.memory_space<vmem>>, vector<1x64x512xf32>
    %swap3A_221 = vector.shape_cast %swap3A_220 : vector<1x64x512xf32> to vector<64x512xf32>
    %swap3A_222 = vector.shape_cast %slice3A_216 : vector<64x512xf32> to vector<1x64x512xf32>
    tpu.vector_store %arg15[%swap3A_217, %swap3A_218, %swap3A_219], %swap3A_222 {strides = array<i32>} : memref<4x64x512xf32, #tpu.memory_space<vmem>>, vector<1x64x512xf32>,
    %slice3A_223 = vector.extract_strided_slice %max3A_202 {offsets = [0, 1536], sizes = [64, 512], strides = [1, 1]} : vector<64x2048xf32> to vector<64x512xf32>
    %swap3A_224 = arith.constant 3 : index
    %swap3A_225 = arith.constant 0 : index
    %swap3A_226 = arith.constant 0 : index
    %swap3A_227 = vector.load %arg15[%swap3A_224, %swap3A_225, %swap3A_226] : memref<4x64x512xf32, #tpu.memory_space<vmem>>, vector<1x64x512xf32>
    %swap3A_228 = vector.shape_cast %swap3A_227 : vector<1x64x512xf32> to vector<64x512xf32>
    %swap3A_229 = vector.shape_cast %slice3A_223 : vector<64x512xf32> to vector<1x64x512xf32>
    tpu.vector_store %arg15[%swap3A_224, %swap3A_225, %swap3A_226], %swap3A_229 {strides = array<i32>} : memref<4x64x512xf32, #tpu.memory_space<vmem>>, vector<1x64x512xf32>,
    return
  }
}

</mosaic_0001>

<sc_bundles>
// kernel: kernel.12.cloned.1.call-start
scs
__scs_entry_jumppad:
0x0: {  	(pc) =	sbr.rel $0x88, $3  }
0x1: {  	(tag) =	ssettag $0x0;
	lr =	simm.s32 $0x1  }
0x2: {  	[smem:$0x3F93] =	sst lr;
	_ =	strace $0xD0000000  }
0x3: {  	_ = 	snop  }
0x4: {  	_ = 	snop  }
0x5: {  	_ = 	snop  }
0x6: {  	_ = 	snop  }
0x7: {  	_ = 	snop  }
__scs_overlays_trampoline_lowered:
0x8: {  	[smem:$0x3FA2] =	sst s0  }
0x9: {  	[smem:$0x3FA3] =	sst s1  }
0xa: {  	[smem:$0x3FA4] =	sst s2  }
0xb: {  	[smem:$0x3FA5] =	sst s3  }
0xc: {  	[smem:$0x3FA6] =	sst s4  }
0xd: {  	[smem:$0x3FA7] =	sst s5  }
0xe: {  	[smem:$0x3FA8] =	sst s6  }
0xf: {  	[smem:$0x3FA9] =	sst s7  }
0x10: {  	[smem:$0x3FAA] =	sst s8  }
0x11: {  	[smem:$0x3FAB] =	sst s9;
	s0 =	simm.s32 @!p0 $0x0  }
0x12: {  	s1 =	sld [smem:$0x3F91];
	s0 =	simm.s32 @p0 $0x1  }
0x13: {  	[smem:$0x3FAC] =	sst s0;
	s0 =	simm.s32 @!p1 $0x0  }
0x14: {  	s2 =	sld [smem:$0x3F90];
	s0 =	simm.s32 @p1 $0x1  }
0x15: {  	[smem:$0x3FAD] =	sst s0;
	s0 =	simm.s32 @!p2 $0x0  }
0x16: {  	s3 =	sld [smem:$0x3FDB];
	s0 =	simm.s32 @p2 $0x1  }
0x17: {  	s4 =	simm.s32 $0x1BF5;
	[smem:$0x3FAF] =	sst s0  }
0x18: {  	s0 =	sld [smem:$0x3F92];
	_ =	swait.ge [sflag:s4], $0x0  }
0x19: {  	s7 =	sld [smem:$0x3F93]  }
0x1a: {  	s8 =	sadd.s32 $0xFFFFE003, lr  }
0x1b: {  	s9 =	sadd.s32 $0xFFFFFEF7, lr;
	s5 =	simm.s32 $0xFFFFFFFF;
	p2 =	slt.u32 s8, $0xFFFFF086  }
0x1c: {  	p1 =	slt.u32 s9, $0xF7A;
	s5 =	simm.s32 @!p2 $0x0  }
0x1d: {  	s5 =	simm.s32 @p1 $0x1;
	p0 =	seq.s32 s7, s2  }
0x1e: {  	s7 =	smul.u32 @!p0 $0xF7A, s2;
	p2 =	seq.s32 @!p0 s5, $0x0  }
0x1f: {  	s9 =	smul.u32 $0xF7A, s1;
	s8 =	simm.s32 @!p0 $0x1BF5;
	p2 =	por !p2, p0  }
0x20: {  	[sflag:s8] =	ssyncset.s32 @!p0 $0xFFFFF086;
	s6 =	sadd.s32 @!p0 s3, s7;
	s7 =	simm.s32 @!p0 $0x108  }
0x21: {  	s3 =	sadd.s32 s3, s9;
	s6 =	sadd.s32 @!p0 $0x88, s6;
	s7 =	simm.s32 @p2 $0x1082  }
0x22: {  	[simem:s7], [sflag:s8] =	dma.local @!p0 [hbm:s6], $0xF7A  }
0x23: {  	s9 =	sor.u32 $0xD0000000, s2;
	s6 =	simm.s32 $0x108;
	_ =	swait.ge @!p0 [sflag:s8], $0x0  }
0x24: {  	s3 =	sadd.s32 $0x88, s3;
	s6 =	simm.s32 @!p1 $0x1082;
	[sflag:s4] =	ssyncset.s32 $0xFFFFF086  }
0x25: {  	[simem:s6], [sflag:s4] =	dma.local [hbm:s3], $0xF7A  }
0x26: {  	[smem:$0x3F93] =	sst s1;
	(tag) =	ssettag s2;
	_ =	strace s9  }
0x27: {  	s1 =	sld [smem:$0x3FA3]  }
0x28: {  	s2 =	sld [smem:$0x3FA4]  }
0x29: {  	s4 =	sld [smem:$0x3FA6]  }
0x2a: {  	p0 =	seq.s32 s5, $0x0;
	s5 =	sld [smem:$0x3FA7]  }
0x2b: {  	s6 =	sld [smem:$0x3FA8]  }
0x2c: {  	s7 =	sld [smem:$0x3FA9]  }
0x2d: {  	s3 =	simm.s32 $0x108;
	s8 =	sld [smem:$0x3FAA]  }
0x2e: {  	s3 =	simm.s32 @!p0 $0x1082;
	s9 =	sld [smem:$0x3FAB]  }
0x2f: {  	lr =	sadd.s32 s0, s3;
	s0 =	sld [smem:$0x3FA2]  }
0x30: {  	s3 =	sld [smem:$0x3FA5]  }
0x31: {  	[smem:$0x3FAE] =	sst s10  }
0x32: {  	s10 =	sld [smem:$0x3FAC];
	_ =	sdelay $0x3  }
0x33: {  	p0 =	seq.s32 s10, $0x1;
	s10 =	sld [smem:$0x3FAE];
	_ =	sdelay $0x3  }
0x34: {  	[smem:$0x3FAE] =	sst s10  }
0x35: {  	s10 =	sld [smem:$0x3FAD];
	_ =	sdelay $0x3  }
0x36: {  	p1 =	seq.s32 s10, $0x1;
	s10 =	sld [smem:$0x3FAE];
	_ =	sdelay $0x3  }
0x37: {  	[smem:$0x3FAE] =	sst s10  }
0x38: {  	s10 =	sld [smem:$0x3FAF]  }
0x39: {  	_ = 	snop;
	(pc) =	sbr.ind lr, $3  }
0x3a: {  	_ = 	snop  }
0x3b: {  	_ = 	snop  }
0x3c: {  	p2 =	seq.s32 s10, $0x1;
	s10 =	sld [smem:$0x3FAE]  }
0x3d: {  	_ =	shalt  }
0x3e: {  	_ =	shalt  }
0x3f: {  	_ =	shalt  }
0x40: {  	_ =	shalt  }
0x41: {  	_ =	shalt  }
0x42: {  	_ =	shalt  }
0x43: {  	_ =	shalt  }
0x44: {  	_ =	shalt  }
0x45: {  	_ =	shalt  }
0x46: {  	_ =	shalt  }
0x47: {  	_ =	shalt  }
0x48: {  	_ =	shalt  }
0x49: {  	_ =	shalt  }
0x4a: {  	_ =	shalt  }
0x4b: {  	_ =	shalt  }
0x4c: {  	_ =	shalt  }
0x4d: {  	_ =	shalt  }
0x4e: {  	_ =	shalt  }
0x4f: {  	_ =	shalt  }
0x50: {  	_ =	shalt  }
0x51: {  	_ =	shalt  }
0x52: {  	_ =	shalt  }
0x53: {  	_ =	shalt  }
0x54: {  	_ =	shalt  }
0x55: {  	_ =	shalt  }
0x56: {  	_ =	shalt  }
0x57: {  	_ =	shalt  }
0x58: {  	_ =	shalt  }
0x59: {  	_ =	shalt  }
0x5a: {  	_ =	shalt  }
0x5b: {  	_ =	shalt  }
0x5c: {  	_ =	shalt  }
0x5d: {  	_ =	shalt  }
0x5e: {  	_ =	shalt  }
0x5f: {  	_ =	shalt  }
0x60: {  	_ =	shalt  }
0x61: {  	_ =	shalt  }
0x62: {  	_ =	shalt  }
0x63: {  	_ =	shalt  }
0x64: {  	_ =	shalt  }
0x65: {  	_ =	shalt  }
0x66: {  	_ =	shalt  }
0x67: {  	_ =	shalt  }
0x68: {  	_ =	shalt  }
0x69: {  	_ =	shalt  }
0x6a: {  	_ =	shalt  }
0x6b: {  	_ =	shalt  }
0x6c: {  	_ =	shalt  }
0x6d: {  	_ =	shalt  }
0x6e: {  	_ =	shalt  }
0x6f: {  	_ =	shalt  }
0x70: {  	_ =	shalt  }
0x71: {  	_ =	shalt  }
0x72: {  	_ =	shalt  }
0x73: {  	_ =	shalt  }
0x74: {  	_ =	shalt  }
0x75: {  	_ =	shalt  }
0x76: {  	_ =	shalt  }
0x77: {  	_ =	shalt  }
0x78: {  	_ =	shalt  }
0x79: {  	_ =	shalt  }
0x7a: {  	_ =	shalt  }
0x7b: {  	_ =	shalt  }
0x7c: {  	_ =	shalt  }
0x7d: {  	_ =	shalt  }
0x7e: {  	_ =	shalt  }
0x7f: {  	_ =	shalt  }
0x80: {  	_ =	shalt  }
0x81: {  	_ =	shalt  }
0x82: {  	_ =	shalt  }
0x83: {  	_ =	shalt  }
0x84: {  	_ =	shalt  }
0x85: {  	_ =	shalt  }
0x86: {  	_ =	shalt  }
0x87: {  	_ =	shalt  }
.Lfunc_end0:
.L_simem_size_0:
called_computation.1_lowered:
.L_overlay_start_0:
0x88: {  	s2 =	sld [smem:$0x3FD9]  }
0x89: {  	s3 =	sld [smem:$0x3FFE];
	_ =	sdelay $0x1  }
0x8a: {  	s1 =	srdreg.scid  }
0x8b: {  	s0 =	sand.u32 $0x1, s1  }
0x8c: {  	s17 =	sshll.u32 s0, $0xA;
	s2 =	sadd.s32 s3, s2  }
0x8d: {  	s2 =	sadd.s32 s2, s17  }
0x8e: {  	[smem:$0x3FBA] =	sst s2  }
0x8f: {  	_ = 	snop  }
0x90: {  	(tm) =	ssettm $0x1  }
0x91: {  	s18 =	sld [smem:$0x3FFB];
	_ =	sdelay $0x3  }
0x92: {  	_ =	strace s18  }
0x93: {  	s2 =	sld [smem:$0x3FFC];
	_ =	sdelay $0x3  }
0x94: {  	_ =	strace s2  }
0x95: {  	s2 =	sld [smem:$0x3FFD];
	_ =	sdelay $0x3  }
0x96: {  	_ =	strace s2  }
0x97: {  	_ =	strace $0x8FFFFFFF  }
0x98: {  	s19 =	sld [smem:$0x3FDB];
	_ =	sdelay $0x1  }
0x99: {  	s20 =	simm.s32 $_scs_section_size  }
0x9a: {  	s4 =	simm.s32 $_size__tile_overlayer_lowered;
	s5 =	simm.s32 $_tile_overlayer_lowered  }
0x9b: {  	s6 =	simm.s32 $0x1BFF;
	s21 =	sshll.u32 s5, $0x1;
	s3 =	sadd.s32 s20, s19  }
0x9c: {  	s22 =	simm.s32 $0x0;
	s4 =	sshll.u32 s4, $0x1;
	s5 =	sadd.s32 s21, s3  }
0x9d: {  	[timem:s22], [sflag:s6] =	dma.local [hbm:s5], s4  }
0x9e: {  	_ =	swait.ge [sflag:s6], s4  }
0x9f: {  	s4 =	ssub.s32 $0x0, s4;
	[sflag:s6] =	ssyncset.done $0x0  }
0xa0: {  	[sflag:s6] =	ssyncadd.s32 s4;
	_ =	sdelay $0x1  }
0xa1: {  	s23 =	simm.s32 $0x1B8B  }
0xa2: {  	_ =	swait.ge [sflag:s23], $0x1  }
0xa3: {  	[sflag:s23] =	ssyncset.done $0x0  }
0xa4: {  	[sflag:s23] =	ssyncadd.s32 $0xFFFFFFFF  }
0xa5: {  	s4 =	sld [smem:$0x0]  }
0xa6: {  	s5 =	sand.u32 $0xFFFFFFFE, s1  }
0xa7: {  	p0 =	sne.s32 s1, s5  }
0xa8: {  	s5 =	sshll.u32 @p0 s5, $0xE  }
0xa9: {  	s5 =	sadd.s32 @p0 $0x11B8D, s5;
	s6 =	sshll.u32 @p0 s4, $0x11  }
0xaa: {  	s5 =	sor.u32 @p0 s6, s5  }
0xab: {  	[sflag:s5] =	ssyncadd.remote.s32 @p0 $0x1;
	_ =	sdelay $0x1  }
0xac: {  	s5 =	simm.s32 @p0 $0x1B8D  }
0xad: {  	_ =	swait.eq @p0 [sflag:s5], $0x1  }
0xae: {  	[sflag:s5] =	ssyncadd.s32 @p0 $0xFFFFFFFF  }
0xaf: {  	s6 =	sshll.u32 @!p0 s1, $0xE  }
0xb0: {  	s6 =	sor.u32 @!p0 $0x4000, s6;
	s5 =	simm.s32 @!p0 $0x1B8D  }
0xb1: {  	s4 =	sshll.u32 @!p0 s4, $0x11;
	s6 =	sadd.s32 @!p0 $0x11B8D, s6;
	_ =	swait.eq @!p0 [sflag:s5], $0x1  }
0xb2: {  	s4 =	sor.u32 @!p0 s4, s6;
	[sflag:s5] =	ssyncadd.s32 @!p0 $0xFFFFFFFF  }
0xb3: {  	s25 =	simm.s32 $0x1B8E;
	s24 =	sld [smem:$0x3FFE];
	[sflag:s4] =	ssyncadd.remote.s32 @!p0 $0x1  }
0xb4: {  	s26 =	simm.s32 $execute0_lowered;
	[smem:$0x3FD2] =	sst s25  }
0xb5: {  	s5 =	sshll.u32 s26, $0x1;
	_ =	strace $0x80000049;
	[dreg:$0x1] =	wrdreg $0xFFFFFFFF  }
0xb6: {  	s28 =	simm.s32 $_size_execute0_lowered;
	s3 =	sadd.s32 s3, s5;
	[dreg:$0x0] =	wrdreg $0x0  }
0xb7: {  	s5 =	sshll.u32 s28, $0x1;
	[dreg:$0x2] =	wrdreg s3  }
0xb8: {  	[dreg:$0x3] =	wrdreg s5  }
0xb9: {  	[dreg:$0x4] =	wrdreg $0xC0  }
0xba: {  	_ =	task [dreg:s22], $0x5FFFF  }
0xbb: {  	[dreg:$0x1] =	wrdreg $0xFFFFFFFF  }
0xbc: {  	[dreg:$0x0] =	wrdreg $0x60  }
0xbd: {  	[dreg:$0x2] =	wrdreg s24  }
0xbe: {  	[dreg:$0x3] =	wrdreg $0xA  }
0xbf: {  	_ =	task.clear_ibuf [dreg:s22], $0x4FFFF;
	_ =	strace $0x90000049  }
0xc0: {  	s29 =	simm.s32 $0xA;
	_ =	strace $0x8000004B  }
0xc1: {  	_ =	swait.ge [sflag:s29], $0x1  }
0xc2: {  	[sflag:s29] =	ssyncadd.s32 $0xFFFFFFFF  }
0xc3: {  	_ =	strace $0x9000004B  }
0xc4: {  	_ =	sfence  }
0xc5: {  	s30 =	sld [smem:$0x0];
	_ =	sdelay $0x2  }
0xc6: {  	s31 =	sshll.u32 s1, $0xD;
	s1 =	sshrl.u32 s1, $0x2  }
0xc7: {  	s4 =	sand.u32 $0x4000, s31;
	s1 =	sadd.s32 s1, s30  }
0xc8: {  	s0 =	sor.u32 s4, s0;
	s1 =	sshll.u32 s1, $0x11  }
0xc9: {  	s0 =	sor.u32 s1, s0  }
0xca: {  	s0 =	sadd.s32 $0x8F2B, s0  }
0xcb: {  	[sflag:s0] =	ssyncadd.remote.s32 $0x1  }
0xcc: {  	_ =	sfence.sel $0xFFFF  }
0xcd: {  	[dreg:$0x0] =	wrdreg $0xFFFFFFFF;
	(pc) =	sbr.abs _section_cstart, $3  }
0xce: {  	[dreg:$0x1] =	wrdreg $0xFFFFFFFF  }
0xcf: {  	_ =	task.clear_ibuf [dreg:s22], $0x2FFFF;
	_ =	strace $0x9FFFFFFF  }
0xd0: {  	(tm) =	ssettm $0x7FFFFFFF  }
0xd1: {  	_ =	shalt  }
tec
execute0_lowered:
.L_overlay_start_1:
0x0: {  	(tag) =	ssettag $0x1  }
0x1: {  	s1 =	srdreg.scid  }
0x2: {  	s0 =	stileid.u32;
	s10 =	sand.u32 $0x1, s1  }
0x3: {  	s8 =	rddreg [dreg:$0x0];
	s3 =	sshll.u32 s0, $0xB;
	s4 =	sshll.u32 s10, $0xA  }
0x4: {  	s2 =	simm.s32 $0x0;
	s1 =	rddreg [dreg:$0x1];
	s9 =	sor.u32 s4, s3  }
0x5: {  	[smem:$0x7FF] =	sst s2;
	s11 =	sadd.s32 $0x102A00, s8;
	s3 =	sshrl.u32 s9, $0x3  }
0x6: {  	_ =	strace $0x8000004A;
	s4 =	sadd.s32 s11, s3;
	s3 =	simm.s32 $0x2  }
0x7: {  	[tilespmem:s2], [sflag:$0x2] =	stream.linear.gather [hbm4b:s4+s2], $0x200, $0x38;
	[tilespmem:$0x10200] =	vst v63  }
0x8: {  	_ =	swait.ge [sflag:s3], $0x200  }
0x9: {  	s6 =	simm.s32 $0x200;
	[sflag:s3] =	ssyncset.done $0x0  }
0xa: {  	s7 =	simm.s32 $0x1;
	s5 =	sadd.s32 $0x2A00, s8;
	[sflag:s3] =	ssyncadd.s32 $0xFFFFFE00  }
0xb: {  	[tilespmem:s6], [sflag:$0x1] =	stream.indirect.gather [hbm4b:s5+s6], $0x80, s2, s6, $0xb8;
	[tilespmem:$0x10200] =	vst v63  }
0xc: {  	_ =	swait.ge [sflag:s7], $0x10000  }
0xd: {  	s12 =	sadd.s32 $0x103A00, s8;
	s29 =	sshll.u32 s9, $0x4;
	[sflag:s7] =	ssyncset.done $0x0  }
0xe: {  	s8 =	sadd.s32 s12, s29;
	[sflag:s7] =	ssyncadd.s32 $0xFFFF0000  }
0xf: {  	[hbm4b:s8+s2] =	stream.linear.scatter [tilespmem:s6], [sflag:$0x2], $0x10000, $0x38;
	[tilespmem:$0x10200] =	vst v63  }
0x10: {  	s13 =	sor.u32 $0x200, s9;
	_ =	swait.ge [sflag:s3], $0x10000  }
0x11: {  	s9 =	sshrl.u32 s13, $0x3;
	[sflag:s3] =	ssyncset.done $0x0  }
0x12: {  	s10 =	ssub.s32 $0x2, s10;
	s9 =	sadd.s32 s11, s9;
	[sflag:s3] =	ssyncadd.s32 $0xFFFF0000  }
0x13: {  	[tilespmem:s2], [sflag:$0x2] =	stream.linear.gather [hbm4b:s9+s2], $0x200, $0x38;
	[tilespmem:$0x10200] =	vst v63  }
0x14: {  	s30 =	sshrl.u32 s10, $0x1;
	_ =	swait.ge [sflag:s3], $0x200  }
0x15: {  	s11 =	ssub.s32 s10, s30;
	[sflag:s3] =	ssyncset.done $0x0  }
0x16: {  	s11 =	smax.u32 s11, $0x1;
	[sflag:s3] =	ssyncadd.s32 $0xFFFFFE00  }
0x17: {  	[tilespmem:s6], [sflag:$0x1] =	stream.indirect.gather [hbm4b:s5+s6], $0x80, s2, s6, $0xb8;
	[tilespmem:$0x10200] =	vst v63  }
0x18: {  	p0 =	sne.s32 s11, $0x1;
	_ =	swait.ge [sflag:s7], $0x10000  }
.Ltmp0:
0x19: {  	s31 =	sshll.u32 s13, $0x4;
	[sflag:s7] =	ssyncset.done $0x0;
	(pc) =	sbr.rel @!p0 .LBB2_2-.Ltmp0, $4  }
0x1a: {  	s10 =	sadd.s32 s12, s31;
	[sflag:s7] =	ssyncadd.s32 $0xFFFF0000  }
0x1b: {  	[hbm4b:s10+s2] =	stream.linear.scatter [tilespmem:s6], [sflag:$0x2], $0x10000, $0x38;
	[tilespmem:$0x10200] =	vst v63  }
0x1c: {  	_ =	swait.ge [sflag:s3], $0x10000  }
0x1d: {  	s11 =	sadd.s32 $0xFFFFFFFF, s11;
	[sflag:s3] =	ssyncset.done $0x0  }
.LBB2_1:
0x1e: {  	p0 =	sne.s32 s11, $0x1;
	s11 =	sadd.s32 $0xFFFFFFFF, s11;
	[sflag:s3] =	ssyncadd.s32 $0xFFFF0000  }
0x1f: {  	[tilespmem:s2], [sflag:$0x2] =	stream.linear.gather [hbm4b:s4+s2], $0x200, $0x38;
	[tilespmem:$0x10200] =	vst v63  }
0x20: {  	_ =	swait.ge [sflag:s3], $0x200  }
0x21: {  	[sflag:s3] =	ssyncset.done $0x0  }
0x22: {  	[sflag:s3] =	ssyncadd.s32 $0xFFFFFE00  }
0x23: {  	[tilespmem:s6], [sflag:$0x1] =	stream.indirect.gather [hbm4b:s5+s6], $0x80, s2, s6, $0xb8;
	[tilespmem:$0x10200] =	vst v63  }
0x24: {  	_ =	swait.ge [sflag:s7], $0x10000  }
0x25: {  	[sflag:s7] =	ssyncset.done $0x0  }
0x26: {  	[sflag:s7] =	ssyncadd.s32 $0xFFFF0000  }
0x27: {  	[hbm4b:s8+s2] =	stream.linear.scatter [tilespmem:s6], [sflag:$0x2], $0x10000, $0x38;
	[tilespmem:$0x10200] =	vst v63  }
0x28: {  	_ =	swait.ge [sflag:s3], $0x10000  }
0x29: {  	[sflag:s3] =	ssyncset.done $0x0  }
0x2a: {  	[sflag:s3] =	ssyncadd.s32 $0xFFFF0000  }
0x2b: {  	[tilespmem:s2], [sflag:$0x2] =	stream.linear.gather [hbm4b:s9+s2], $0x200, $0x38;
	[tilespmem:$0x10200] =	vst v63  }
0x2c: {  	_ =	swait.ge [sflag:s3], $0x200  }
0x2d: {  	[sflag:s3] =	ssyncset.done $0x0  }
0x2e: {  	[sflag:s3] =	ssyncadd.s32 $0xFFFFFE00  }
0x2f: {  	[tilespmem:s6], [sflag:$0x1] =	stream.indirect.gather [hbm4b:s5+s6], $0x80, s2, s6, $0xb8;
	[tilespmem:$0x10200] =	vst v63  }
0x30: {  	_ =	swait.ge [sflag:s7], $0x10000  }
.Ltmp1:
0x31: {  	[sflag:s7] =	ssyncset.done $0x0;
	(pc) =	sbr.rel @p0 .LBB2_1-.Ltmp1, $4  }
0x32: {  	[sflag:s7] =	ssyncadd.s32 $0xFFFF0000  }
0x33: {  	[hbm4b:s10+s2] =	stream.linear.scatter [tilespmem:s6], [sflag:$0x2], $0x10000, $0x38;
	[tilespmem:$0x10200] =	vst v63  }
0x34: {  	_ =	swait.ge [sflag:s3], $0x10000  }
0x35: {  	[sflag:s3] =	ssyncset.done $0x0  }
.LBB2_2:
0x36: {  	[sflag:s3] =	ssyncadd.s32 $0xFFFF0000  }
0x37: {  	_ =	sfence.sel $0x180000  }
0x38: {  	[bflag:$0x0] =	sbarrier.arrive $0xFFFF  }
0x39: {  	p0 =	sne.s32 s0, $0x0;
	_ =	strace $0x9000004A  }
0x3a: {  	s0 =	sadd.s32 @!p0 $0x100000, s1;
	[bflag:$0x2] =	sbarrier.arrive $0xFFFF  }
0x3b: {  	[sflag:s0] =	ssyncadd.tile.s32 @!p0 $0x1;
	_ =	shalt  }
.Lfunc_end2:
_tile_overlayer_lowered:
.L_overlay_start_2:
0x3c: {  	(tag) =	ssettag $0x2  }
0x3d: {  	s0 =	rddreg [dreg:$0x0];
	s2 =	stileid.u32  }
0x3e: {  	s1 =	rddreg [dreg:$0x1];
	p0 =	sne.s32 s2, $0x0  }
0x3f: {  	s3 =	rddreg [dreg:$0x2];
	[bflag:$0x3] =	sbarrier.arrive $0xFFFF;
	s2 =	simm.s32 @!p0 $0x1C02  }
0x40: {  	[timem:s3], [sflag:s2] =	dma.local @!p0 [hbm:s0], s1  }
0x41: {  	s0 =	simm.s32 @!p0 $0x2  }
0x42: {  	_ =	swait.ge @!p0 [sflag:s0], s1  }
0x43: {  	s1 =	ssub.s32 @!p0 $0x0, s1;
	[sflag:s0] =	ssyncset.done @!p0 $0x0  }
0x44: {  	[sflag:s0] =	ssyncadd.s32 @!p0 s1  }
0x45: {  	[bflag:$0x3] =	sbarrier.arrive $0xFFFF  }
0x46: {  	_ =	shalt  }

// kernel: kernel.9.cloned.1.call-start
scs
__scs_entry_jumppad:
0x0: {  	(pc) =	sbr.rel $0x88, $3  }
0x1: {  	(tag) =	ssettag $0x0;
	lr =	simm.s32 $0x1  }
0x2: {  	[smem:$0x3F93] =	sst lr;
	_ =	strace $0xD0000000  }
0x3: {  	_ = 	snop  }
0x4: {  	_ = 	snop  }
0x5: {  	_ = 	snop  }
0x6: {  	_ = 	snop  }
0x7: {  	_ = 	snop  }
__scs_overlays_trampoline_lowered:
0x8: {  	[smem:$0x3FA2] =	sst s0  }
0x9: {  	[smem:$0x3FA3] =	sst s1  }
0xa: {  	[smem:$0x3FA4] =	sst s2  }
0xb: {  	[smem:$0x3FA5] =	sst s3  }
0xc: {  	[smem:$0x3FA6] =	sst s4  }
0xd: {  	[smem:$0x3FA7] =	sst s5  }
0xe: {  	[smem:$0x3FA8] =	sst s6  }
0xf: {  	[smem:$0x3FA9] =	sst s7  }
0x10: {  	[smem:$0x3FAA] =	sst s8  }
0x11: {  	[smem:$0x3FAB] =	sst s9;
	s0 =	simm.s32 @!p0 $0x0  }
0x12: {  	s1 =	sld [smem:$0x3F91];
	s0 =	simm.s32 @p0 $0x1  }
0x13: {  	[smem:$0x3FAC] =	sst s0;
	s0 =	simm.s32 @!p1 $0x0  }
0x14: {  	s2 =	sld [smem:$0x3F90];
	s0 =	simm.s32 @p1 $0x1  }
0x15: {  	[smem:$0x3FAD] =	sst s0;
	s0 =	simm.s32 @!p2 $0x0  }
0x16: {  	s3 =	sld [smem:$0x3FDB];
	s0 =	simm.s32 @p2 $0x1  }
0x17: {  	s4 =	simm.s32 $0x1BF5;
	[smem:$0x3FAF] =	sst s0  }
0x18: {  	s0 =	sld [smem:$0x3F92];
	_ =	swait.ge [sflag:s4], $0x0  }
0x19: {  	s7 =	sld [smem:$0x3F93]  }
0x1a: {  	s8 =	sadd.s32 $0xFFFFE003, lr  }
0x1b: {  	s9 =	sadd.s32 $0xFFFFFEF7, lr;
	s5 =	simm.s32 $0xFFFFFFFF;
	p2 =	slt.u32 s8, $0xFFFFF086  }
0x1c: {  	p1 =	slt.u32 s9, $0xF7A;
	s5 =	simm.s32 @!p2 $0x0  }
0x1d: {  	s5 =	simm.s32 @p1 $0x1;
	p0 =	seq.s32 s7, s2  }
0x1e: {  	s7 =	smul.u32 @!p0 $0xF7A, s2;
	p2 =	seq.s32 @!p0 s5, $0x0  }
0x1f: {  	s9 =	smul.u32 $0xF7A, s1;
	s8 =	simm.s32 @!p0 $0x1BF5;
	p2 =	por !p2, p0  }
0x20: {  	[sflag:s8] =	ssyncset.s32 @!p0 $0xFFFFF086;
	s6 =	sadd.s32 @!p0 s3, s7;
	s7 =	simm.s32 @!p0 $0x108  }
0x21: {  	s3 =	sadd.s32 s3, s9;
	s6 =	sadd.s32 @!p0 $0x88, s6;
	s7 =	simm.s32 @p2 $0x1082  }
0x22: {  	[simem:s7], [sflag:s8] =	dma.local @!p0 [hbm:s6], $0xF7A  }
0x23: {  	s9 =	sor.u32 $0xD0000000, s2;
	s6 =	simm.s32 $0x108;
	_ =	swait.ge @!p0 [sflag:s8], $0x0  }
0x24: {  	s3 =	sadd.s32 $0x88, s3;
	s6 =	simm.s32 @!p1 $0x1082;
	[sflag:s4] =	ssyncset.s32 $0xFFFFF086  }
0x25: {  	[simem:s6], [sflag:s4] =	dma.local [hbm:s3], $0xF7A  }
0x26: {  	[smem:$0x3F93] =	sst s1;
	(tag) =	ssettag s2;
	_ =	strace s9  }
0x27: {  	s1 =	sld [smem:$0x3FA3]  }
0x28: {  	s2 =	sld [smem:$0x3FA4]  }
0x29: {  	s4 =	sld [smem:$0x3FA6]  }
0x2a: {  	p0 =	seq.s32 s5, $0x0;
	s5 =	sld [smem:$0x3FA7]  }
0x2b: {  	s6 =	sld [smem:$0x3FA8]  }
0x2c: {  	s7 =	sld [smem:$0x3FA9]  }
0x2d: {  	s3 =	simm.s32 $0x108;
	s8 =	sld [smem:$0x3FAA]  }
0x2e: {  	s3 =	simm.s32 @!p0 $0x1082;
	s9 =	sld [smem:$0x3FAB]  }
0x2f: {  	lr =	sadd.s32 s0, s3;
	s0 =	sld [smem:$0x3FA2]  }
0x30: {  	s3 =	sld [smem:$0x3FA5]  }
0x31: {  	[smem:$0x3FAE] =	sst s10  }
0x32: {  	s10 =	sld [smem:$0x3FAC];
	_ =	sdelay $0x3  }
0x33: {  	p0 =	seq.s32 s10, $0x1;
	s10 =	sld [smem:$0x3FAE];
	_ =	sdelay $0x3  }
0x34: {  	[smem:$0x3FAE] =	sst s10  }
0x35: {  	s10 =	sld [smem:$0x3FAD];
	_ =	sdelay $0x3  }
0x36: {  	p1 =	seq.s32 s10, $0x1;
	s10 =	sld [smem:$0x3FAE];
	_ =	sdelay $0x3  }
0x37: {  	[smem:$0x3FAE] =	sst s10  }
0x38: {  	s10 =	sld [smem:$0x3FAF]  }
0x39: {  	_ = 	snop;
	(pc) =	sbr.ind lr, $3  }
0x3a: {  	_ = 	snop  }
0x3b: {  	_ = 	snop  }
0x3c: {  	p2 =	seq.s32 s10, $0x1;
	s10 =	sld [smem:$0x3FAE]  }
0x3d: {  	_ =	shalt  }
0x3e: {  	_ =	shalt  }
0x3f: {  	_ =	shalt  }
0x40: {  	_ =	shalt  }
0x41: {  	_ =	shalt  }
0x42: {  	_ =	shalt  }
0x43: {  	_ =	shalt  }
0x44: {  	_ =	shalt  }
0x45: {  	_ =	shalt  }
0x46: {  	_ =	shalt  }
0x47: {  	_ =	shalt  }
0x48: {  	_ =	shalt  }
0x49: {  	_ =	shalt  }
0x4a: {  	_ =	shalt  }
0x4b: {  	_ =	shalt  }
0x4c: {  	_ =	shalt  }
0x4d: {  	_ =	shalt  }
0x4e: {  	_ =	shalt  }
0x4f: {  	_ =	shalt  }
0x50: {  	_ =	shalt  }
0x51: {  	_ =	shalt  }
0x52: {  	_ =	shalt  }
0x53: {  	_ =	shalt  }
0x54: {  	_ =	shalt  }
0x55: {  	_ =	shalt  }
0x56: {  	_ =	shalt  }
0x57: {  	_ =	shalt  }
0x58: {  	_ =	shalt  }
0x59: {  	_ =	shalt  }
0x5a: {  	_ =	shalt  }
0x5b: {  	_ =	shalt  }
0x5c: {  	_ =	shalt  }
0x5d: {  	_ =	shalt  }
0x5e: {  	_ =	shalt  }
0x5f: {  	_ =	shalt  }
0x60: {  	_ =	shalt  }
0x61: {  	_ =	shalt  }
0x62: {  	_ =	shalt  }
0x63: {  	_ =	shalt  }
0x64: {  	_ =	shalt  }
0x65: {  	_ =	shalt  }
0x66: {  	_ =	shalt  }
0x67: {  	_ =	shalt  }
0x68: {  	_ =	shalt  }
0x69: {  	_ =	shalt  }
0x6a: {  	_ =	shalt  }
0x6b: {  	_ =	shalt  }
0x6c: {  	_ =	shalt  }
0x6d: {  	_ =	shalt  }
0x6e: {  	_ =	shalt  }
0x6f: {  	_ =	shalt  }
0x70: {  	_ =	shalt  }
0x71: {  	_ =	shalt  }
0x72: {  	_ =	shalt  }
0x73: {  	_ =	shalt  }
0x74: {  	_ =	shalt  }
0x75: {  	_ =	shalt  }
0x76: {  	_ =	shalt  }
0x77: {  	_ =	shalt  }
0x78: {  	_ =	shalt  }
0x79: {  	_ =	shalt  }
0x7a: {  	_ =	shalt  }
0x7b: {  	_ =	shalt  }
0x7c: {  	_ =	shalt  }
0x7d: {  	_ =	shalt  }
0x7e: {  	_ =	shalt  }
0x7f: {  	_ =	shalt  }
0x80: {  	_ =	shalt  }
0x81: {  	_ =	shalt  }
0x82: {  	_ =	shalt  }
0x83: {  	_ =	shalt  }
0x84: {  	_ =	shalt  }
0x85: {  	_ =	shalt  }
0x86: {  	_ =	shalt  }
0x87: {  	_ =	shalt  }
.Lfunc_end0:
.L_simem_size_0:
called_computation_lowered:
.L_overlay_start_0:
0x88: {  	s2 =	sld [smem:$0x3FD9]  }
0x89: {  	s3 =	sld [smem:$0x3FFE];
	_ =	sdelay $0x1  }
0x8a: {  	s1 =	srdreg.scid  }
0x8b: {  	s0 =	sand.u32 $0x1, s1  }
0x8c: {  	s14 =	sshll.u32 s0, $0xA;
	s2 =	sadd.s32 s3, s2  }
0x8d: {  	s2 =	sadd.s32 s2, s14  }
0x8e: {  	[smem:$0x3FBA] =	sst s2  }
0x8f: {  	_ = 	snop  }
0x90: {  	s2 =	sld [smem:$0x3FD0];
	_ =	sdelay $0x2  }
0x91: {  	s15 =	simm.s32 $0xB;
	s4 =	simm.s32 $0x10  }
0x92: {  	[smem:s4], [sflag:s15] =	dma.local [hbm:s2], $0x1  }
0x93: {  	_ =	swait.eq [sflag:s15], $0x1  }
0x94: {  	[sflag:s15] =	ssyncset.done $0x0  }
0x95: {  	[sflag:s15] =	ssyncadd.s32 $0xFFFFFFFF  }
0x96: {  	s16 =	sld [smem:$0x11];
	(tm) =	ssettm $0x1  }
0x97: {  	s17 =	sld [smem:$0x3FFB];
	_ =	sdelay $0x3  }
0x98: {  	_ =	strace s17  }
0x99: {  	s3 =	sld [smem:$0x3FFC];
	_ =	sdelay $0x3  }
0x9a: {  	_ =	strace s3  }
0x9b: {  	s3 =	sld [smem:$0x3FFD];
	_ =	sdelay $0x3  }
0x9c: {  	_ =	strace s3  }
0x9d: {  	_ =	strace $0x8FFFFFFF  }
0x9e: {  	s18 =	sld [smem:$0x3FDB];
	_ =	sdelay $0x1  }
0x9f: {  	s19 =	simm.s32 $_scs_section_size  }
0xa0: {  	s5 =	simm.s32 $_size__tile_overlayer_lowered;
	s6 =	simm.s32 $_tile_overlayer_lowered  }
0xa1: {  	s22 =	simm.s32 $0x1BFF;
	s21 =	sshll.u32 s6, $0x1;
	s3 =	sadd.s32 s19, s18  }
0xa2: {  	s7 =	simm.s32 $0x0;
	s20 =	sshll.u32 s5, $0x1;
	s5 =	sadd.s32 s21, s3  }
0xa3: {  	[timem:s7], [sflag:s22] =	dma.local [hbm:s5], s20  }
0xa4: {  	_ =	swait.ge [sflag:s22], s20  }
0xa5: {  	s4 =	ssub.s32 $0x0, s20;
	[sflag:s22] =	ssyncset.done $0x0  }
0xa6: {  	[sflag:s22] =	ssyncadd.s32 s4;
	_ =	sdelay $0x1  }
0xa7: {  	s23 =	simm.s32 $0x1B8B  }
0xa8: {  	_ =	swait.ge [sflag:s23], $0x1  }
0xa9: {  	[sflag:s23] =	ssyncset.done $0x0  }
0xaa: {  	s25 =	simm.s32 $0x1B8E;
	s24 =	sld [smem:$0x3FFE];
	[sflag:s23] =	ssyncadd.s32 $0xFFFFFFFF  }
0xab: {  	s26 =	simm.s32 $execute0_lowered;
	[smem:$0x3FD2] =	sst s25  }
0xac: {  	s5 =	sshll.u32 s26, $0x1;
	_ =	strace $0x80000046;
	[dreg:$0x1] =	wrdreg $0xFFFFFFFF  }
0xad: {  	s28 =	simm.s32 $_size_execute0_lowered;
	s3 =	sadd.s32 s3, s5;
	[dreg:$0x0] =	wrdreg $0x0  }
0xae: {  	s5 =	sshll.u32 s28, $0x1;
	[dreg:$0x2] =	wrdreg s3  }
0xaf: {  	[dreg:$0x3] =	wrdreg s5  }
0xb0: {  	[dreg:$0x4] =	wrdreg $0xC0  }
0xb1: {  	_ =	task [dreg:s7], $0x5FFFF  }
0xb2: {  	[dreg:$0x1] =	wrdreg $0xFFFFFFFF  }
0xb3: {  	[dreg:$0x0] =	wrdreg $0x60  }
0xb4: {  	[dreg:$0x2] =	wrdreg s24  }
0xb5: {  	[dreg:$0x3] =	wrdreg s16  }
0xb6: {  	[dreg:$0x4] =	wrdreg $0x9  }
0xb7: {  	_ =	task.clear_ibuf [dreg:s7], $0x5FFFF;
	_ =	strace $0x90000046  }
0xb8: {  	s29 =	simm.s32 $0x9;
	_ =	strace $0x80000048  }
0xb9: {  	_ =	swait.ge [sflag:s29], $0x1  }
0xba: {  	[sflag:s29] =	ssyncadd.s32 $0xFFFFFFFF  }
0xbb: {  	_ =	strace $0x90000048  }
0xbc: {  	_ =	sfence  }
0xbd: {  	s30 =	sld [smem:$0x0];
	_ =	sdelay $0x2  }
0xbe: {  	s31 =	sshll.u32 s1, $0xD;
	s1 =	sshrl.u32 s1, $0x2  }
0xbf: {  	s3 =	sand.u32 $0x4000, s31;
	s1 =	sadd.s32 s1, s30  }
0xc0: {  	s0 =	sor.u32 s3, s0;
	s1 =	sshll.u32 s1, $0x11  }
0xc1: {  	s0 =	sor.u32 s1, s0  }
0xc2: {  	s0 =	sadd.s32 $0x8F2B, s0  }
0xc3: {  	[sflag:s0] =	ssyncadd.remote.s32 $0x1  }
0xc4: {  	_ =	sfence.sel $0xFFFF  }
0xc5: {  	[dreg:$0x0] =	wrdreg $0xFFFFFFFF;
	(pc) =	sbr.abs _section_cstart, $3  }
0xc6: {  	[dreg:$0x1] =	wrdreg $0xFFFFFFFF  }
0xc7: {  	_ =	task.clear_ibuf [dreg:s7], $0x2FFFF;
	_ =	strace $0x9FFFFFFF  }
0xc8: {  	(tm) =	ssettm $0x7FFFFFFF  }
0xc9: {  	_ =	shalt  }
tec
execute0_lowered:
.L_overlay_start_1:
0x0: {  	(tag) =	ssettag $0x1  }
0x1: {  	s1 =	srdreg.scid  }
0x2: {  	s8 =	rddreg [dreg:$0x0];
	s0 =	stileid.u32;
	s10 =	sand.u32 $0x1, s1  }
0x3: {  	s9 =	rddreg [dreg:$0x1];
	s3 =	sshll.u32 s0, $0xB;
	s4 =	sshll.u32 s10, $0xA  }
0x4: {  	s2 =	simm.s32 $0x0;
	s1 =	rddreg [dreg:$0x2];
	s11 =	sor.u32 s4, s3  }
0x5: {  	[smem:$0x7FF] =	sst s2;
	s3 =	sshrl.u32 s11, $0x3  }
0x6: {  	_ =	strace $0x80000047;
	s4 =	sadd.s32 s9, s3;
	s3 =	simm.s32 $0x2  }
0x7: {  	[tilespmem:s2], [sflag:$0x2] =	stream.linear.gather [hbm4b:s4+s2], $0x200, $0x38;
	[tilespmem:$0x10200] =	vst v63  }
0x8: {  	_ =	swait.ge [sflag:s3], $0x200  }
0x9: {  	s6 =	simm.s32 $0x200;
	[sflag:s3] =	ssyncset.done $0x0  }
0xa: {  	s7 =	simm.s32 $0x1;
	s5 =	sadd.s32 $0x2A00, s8;
	[sflag:s3] =	ssyncadd.s32 $0xFFFFFE00  }
0xb: {  	[tilespmem:s6], [sflag:$0x1] =	stream.indirect.gather [hbm4b:s5+s6], $0x80, s2, s6, $0xb8;
	[tilespmem:$0x10200] =	vst v63  }
0xc: {  	_ =	swait.ge [sflag:s7], $0x10000  }
0xd: {  	s12 =	sadd.s32 $0x82A00, s8;
	s28 =	sshll.u32 s11, $0x4;
	[sflag:s7] =	ssyncset.done $0x0  }
0xe: {  	s8 =	sadd.s32 s12, s28;
	[sflag:s7] =	ssyncadd.s32 $0xFFFF0000  }
0xf: {  	[hbm4b:s8+s2] =	stream.linear.scatter [tilespmem:s6], [sflag:$0x2], $0x10000, $0x38;
	[tilespmem:$0x10200] =	vst v63  }
0x10: {  	s11 =	sor.u32 $0x200, s11;
	_ =	swait.ge [sflag:s3], $0x10000  }
0x11: {  	s13 =	sshrl.u32 s11, $0x3;
	[sflag:s3] =	ssyncset.done $0x0  }
0x12: {  	s10 =	ssub.s32 $0x2, s10;
	s9 =	sadd.s32 s9, s13;
	[sflag:s3] =	ssyncadd.s32 $0xFFFF0000  }
0x13: {  	[tilespmem:s2], [sflag:$0x2] =	stream.linear.gather [hbm4b:s9+s2], $0x200, $0x38;
	[tilespmem:$0x10200] =	vst v63  }
0x14: {  	s29 =	sshrl.u32 s10, $0x1;
	_ =	swait.ge [sflag:s3], $0x200  }
0x15: {  	s13 =	ssub.s32 s10, s29;
	[sflag:s3] =	ssyncset.done $0x0  }
0x16: {  	s31 =	smax.u32 s13, $0x1;
	[sflag:s3] =	ssyncadd.s32 $0xFFFFFE00  }
0x17: {  	[tilespmem:s6], [sflag:$0x1] =	stream.indirect.gather [hbm4b:s5+s6], $0x80, s2, s6, $0xb8;
	[tilespmem:$0x10200] =	vst v63  }
0x18: {  	p0 =	sne.s32 s31, $0x1;
	_ =	swait.ge [sflag:s7], $0x10000  }
.Ltmp0:
0x19: {  	s30 =	sshll.u32 s11, $0x4;
	[sflag:s7] =	ssyncset.done $0x0;
	(pc) =	sbr.rel @!p0 .LBB2_2-.Ltmp0, $4  }
0x1a: {  	s10 =	sadd.s32 s12, s30;
	[sflag:s7] =	ssyncadd.s32 $0xFFFF0000  }
0x1b: {  	[hbm4b:s10+s2] =	stream.linear.scatter [tilespmem:s6], [sflag:$0x2], $0x10000, $0x38;
	[tilespmem:$0x10200] =	vst v63  }
0x1c: {  	_ =	swait.ge [sflag:s3], $0x10000  }
0x1d: {  	s11 =	sadd.s32 $0xFFFFFFFF, s31;
	[sflag:s3] =	ssyncset.done $0x0  }
.LBB2_1:
0x1e: {  	p0 =	sne.s32 s11, $0x1;
	s11 =	sadd.s32 $0xFFFFFFFF, s11;
	[sflag:s3] =	ssyncadd.s32 $0xFFFF0000  }
0x1f: {  	[tilespmem:s2], [sflag:$0x2] =	stream.linear.gather [hbm4b:s4+s2], $0x200, $0x38;
	[tilespmem:$0x10200] =	vst v63  }
0x20: {  	_ =	swait.ge [sflag:s3], $0x200  }
0x21: {  	[sflag:s3] =	ssyncset.done $0x0  }
0x22: {  	[sflag:s3] =	ssyncadd.s32 $0xFFFFFE00  }
0x23: {  	[tilespmem:s6], [sflag:$0x1] =	stream.indirect.gather [hbm4b:s5+s6], $0x80, s2, s6, $0xb8;
	[tilespmem:$0x10200] =	vst v63  }
0x24: {  	_ =	swait.ge [sflag:s7], $0x10000  }
0x25: {  	[sflag:s7] =	ssyncset.done $0x0  }
0x26: {  	[sflag:s7] =	ssyncadd.s32 $0xFFFF0000  }
0x27: {  	[hbm4b:s8+s2] =	stream.linear.scatter [tilespmem:s6], [sflag:$0x2], $0x10000, $0x38;
	[tilespmem:$0x10200] =	vst v63  }
0x28: {  	_ =	swait.ge [sflag:s3], $0x10000  }
0x29: {  	[sflag:s3] =	ssyncset.done $0x0  }
0x2a: {  	[sflag:s3] =	ssyncadd.s32 $0xFFFF0000  }
0x2b: {  	[tilespmem:s2], [sflag:$0x2] =	stream.linear.gather [hbm4b:s9+s2], $0x200, $0x38;
	[tilespmem:$0x10200] =	vst v63  }
0x2c: {  	_ =	swait.ge [sflag:s3], $0x200  }
0x2d: {  	[sflag:s3] =	ssyncset.done $0x0  }
0x2e: {  	[sflag:s3] =	ssyncadd.s32 $0xFFFFFE00  }
0x2f: {  	[tilespmem:s6], [sflag:$0x1] =	stream.indirect.gather [hbm4b:s5+s6], $0x80, s2, s6, $0xb8;
	[tilespmem:$0x10200] =	vst v63  }
0x30: {  	_ =	swait.ge [sflag:s7], $0x10000  }
.Ltmp1:
0x31: {  	[sflag:s7] =	ssyncset.done $0x0;
	(pc) =	sbr.rel @p0 .LBB2_1-.Ltmp1, $4  }
0x32: {  	[sflag:s7] =	ssyncadd.s32 $0xFFFF0000  }
0x33: {  	[hbm4b:s10+s2] =	stream.linear.scatter [tilespmem:s6], [sflag:$0x2], $0x10000, $0x38;
	[tilespmem:$0x10200] =	vst v63  }
0x34: {  	_ =	swait.ge [sflag:s3], $0x10000  }
0x35: {  	[sflag:s3] =	ssyncset.done $0x0  }
.LBB2_2:
0x36: {  	[sflag:s3] =	ssyncadd.s32 $0xFFFF0000  }
0x37: {  	_ =	sfence.sel $0x180000  }
0x38: {  	[bflag:$0x0] =	sbarrier.arrive $0xFFFF  }
0x39: {  	p0 =	sne.s32 s0, $0x0;
	_ =	strace $0x90000047  }
0x3a: {  	s0 =	sadd.s32 @!p0 $0x100000, s1;
	[bflag:$0x2] =	sbarrier.arrive $0xFFFF  }
0x3b: {  	[sflag:s0] =	ssyncadd.tile.s32 @!p0 $0x1;
	_ =	shalt  }
.Lfunc_end2:
_tile_overlayer_lowered:
.L_overlay_start_2:
0x3c: {  	(tag) =	ssettag $0x2  }
0x3d: {  	s0 =	rddreg [dreg:$0x0];
	s2 =	stileid.u32  }
0x3e: {  	s1 =	rddreg [dreg:$0x1];
	p0 =	sne.s32 s2, $0x0  }
0x3f: {  	s3 =	rddreg [dreg:$0x2];
	[bflag:$0x3] =	sbarrier.arrive $0xFFFF;
	s2 =	simm.s32 @!p0 $0x1C02  }
0x40: {  	[timem:s3], [sflag:s2] =	dma.local @!p0 [hbm:s0], s1  }
0x41: {  	s0 =	simm.s32 @!p0 $0x2  }
0x42: {  	_ =	swait.ge @!p0 [sflag:s0], s1  }
0x43: {  	s1 =	ssub.s32 @!p0 $0x0, s1;
	[sflag:s0] =	ssyncset.done @!p0 $0x0  }
0x44: {  	[sflag:s0] =	ssyncadd.s32 @!p0 s1  }
0x45: {  	[bflag:$0x3] =	sbarrier.arrive $0xFFFF  }
0x46: {  	_ =	shalt  }

</sc_bundles>
